<compile_context>
chip_gen: v7x
topology: tpu7x:2x2x1
jax: 0.10.2.dev20260603
libtpu: 0.0.44.dev20260713+nightly
codegen_flags: <defaults>
</compile_context>

<pallas_src>
import math

import jax
import jax.numpy as jnp
from jax import lax
from jax.experimental import pallas as pl
from jax.experimental.pallas import tpu as pltpu
from jax.experimental.pallas import tpu_sc as plsc

_D = 1024
_SCALE = math.sqrt(_D)
_NC, _NS, _L = 2, 16, 16
_NW = _NC * _NS
_ROWS, _COLS = 4, 4096
_B = _ROWS * _COLS
_BPW = _B // _NW
_WPR = _COLS // _BPW
_C = 16
_NCHUNK = _BPW // _C
_GROUPS = _D // _L


def _scale_rows(gbuf, sbuf):

    @pl.loop(0, _C)
    def _row(r):
        for j in range(_GROUPS):
            sl = pl.ds(j * _L, _L)
            sbuf[r, sl] = gbuf[r, sl] * _SCALE


def _emb_body(tok_hbm, table_hbm, out_hbm,
              idx_v, g0, g1, s0, s1, gsem0, gsem1, ssem0, ssem1):
    gbufs, gsems = (g0, g1), (gsem0, gsem1)
    sbufs, ssems = (s0, s1), (ssem0, ssem1)

    wid = lax.axis_index("s") * _NC + lax.axis_index("c")
    wrow = wid // _WPR
    wcol = (wid % _WPR) * _BPW

    pltpu.sync_copy(tok_hbm.at[wrow, pl.ds(wcol, _BPW)], idx_v)

    def gather_copy(k, slot):
        return pltpu.make_async_copy(
            table_hbm.at[idx_v.at[pl.ds(k * _C, _C)]], gbufs[slot],
            gsems[slot])

    def scatter_copy(k, slot):
        return pltpu.make_async_copy(
            sbufs[slot],
            out_hbm.at[wrow, pl.ds(wcol + k * _C, _C)], ssems[slot])

    def chunk(k, slot):
        gather_copy(k, slot).wait()

        @pl.when(k >= 2)
        def _():
            scatter_copy(k - 2, slot).wait()

        _scale_rows(gbufs[slot], sbufs[slot])

        @pl.when(k < _NCHUNK - 2)
        def _():
            gather_copy(k + 2, slot).start()

        scatter_copy(k, slot).start()

    gather_copy(0, 0).start()
    gather_copy(1, 1).start()

    @pl.loop(0, _NCHUNK, step=2)
    def _steady(kk):
        chunk(kk, 0)
        chunk(kk + 1, 1)

    scatter_copy(_NCHUNK - 2, 0).wait()
    scatter_copy(_NCHUNK - 1, 1).wait()


_emb = pl.kernel(
    _emb_body,
    out_type=jax.ShapeDtypeStruct((_ROWS, _COLS, _D), jnp.float32),
    mesh=plsc.VectorSubcoreMesh(core_axis_name="c", subcore_axis_name="s"),
    scratch_types=[
        pltpu.VMEM((_BPW,), jnp.int32),
        pltpu.VMEM((_C, _D), jnp.float32),
        pltpu.VMEM((_C, _D), jnp.float32),
        pltpu.VMEM((_C, _D), jnp.float32),
        pltpu.VMEM((_C, _D), jnp.float32),
        pltpu.SemaphoreType.DMA,
        pltpu.SemaphoreType.DMA,
        pltpu.SemaphoreType.DMA,
        pltpu.SemaphoreType.DMA,
    ],
)


def kernel(tokens, embedding_weight):
    return _emb(tokens.astype(jnp.int32), embedding_weight)

# --- scband reference (transcript-rebuilt; emitter-appended) ---
"""Pipeline reference for scband-token-embedding-53661321396803 (READ-ONLY COPY).

The authoritative reference and input builder live on the scoring server;
editing this copy changes nothing except your own understanding.
"""

import jax, jax.numpy as jnp
import numpy as np
import math

VOCAB = 100000
D_MODEL = 1024

def setup_inputs(seed: int = 0) -> dict:
    key = jax.random.key(seed)
    k_tok, k_emb = jax.random.split(key)
    tokens = jax.random.randint(k_tok, (4, 4096), 0, VOCAB, dtype=jnp.int64 if jax.config.jax_enable_x64 else jnp.int32)
    # nn.Embedding default init: N(0, 1)
    embedding_weight = jax.random.normal(k_emb, (VOCAB, D_MODEL), dtype=jnp.float32)
    return {"tokens": tokens, "embedding_weight": embedding_weight}

def reference(tokens, embedding_weight):
    # TokenEmbedding.forward: embedding(tokens.long()) * sqrt(d_model)
    emb = jnp.take(embedding_weight, tokens, axis=0)
    return emb * math.sqrt(D_MODEL)

if __name__ == "__main__":
    import jax
    _d = setup_inputs()
    print(jax.jit(kernel)(*tuple(_d.values())))

</pallas_src>

<mosaic_0001>
#map = affine_map<(d0, d1) -> (0, 0)>
#map1 = affine_map<(d0, d1) -> (0, 0, 0)>
module attributes {stable_mosaic.version = 14 : i64} {
  func.func @_emb_body(%arg0: i32, %arg1: i32, %arg2: memref<4x4096xi32, #tpu.memory_space<hbm>>, %arg3: memref<100000x1024xf32, #tpu.memory_space<hbm>>, %arg4: memref<4x4096x1024xf32, #tpu.memory_space<hbm>>, %arg5: memref<512xi32, #tpu.memory_space<vmem>>, %arg6: memref<16x1024xf32, #tpu.memory_space<vmem>>, %arg7: memref<16x1024xf32, #tpu.memory_space<vmem>>, %arg8: memref<16x1024xf32, #tpu.memory_space<vmem>>, %arg9: memref<16x1024xf32, #tpu.memory_space<vmem>>, %arg10: memref<!tpu.dma_semaphore, #tpu.memory_space<semaphore_mem>>, %arg11: memref<!tpu.dma_semaphore, #tpu.memory_space<semaphore_mem>>, %arg12: memref<!tpu.dma_semaphore, #tpu.memory_space<semaphore_mem>>, %arg13: memref<!tpu.dma_semaphore, #tpu.memory_space<semaphore_mem>>) attributes {dimension_semantics = [#tpu.dimension_semantics<core_parallel>, #tpu.dimension_semantics<subcore_parallel>], iteration_bounds = array<i64: 2, 16>, scalar_prefetch = 0 : i64, scratch_operands = 9 : i64, tpu.core_type = #tpu.core_type<sc_vector_subcore>, window_params = [{transform_indices = #map}, {transform_indices = #map}, {transform_indices = #map1}]} {
    %mul3A = arith.constant 2 : i32
    %mul3A_0 = arith.muli %arg1, %mul3A : i32
    %add3A = arith.addi %mul3A_0, %arg0 : i32
    %jit3A = arith.constant 8 : i32
    %div3A = arith.divsi %add3A, %jit3A : i32
    %sign3A = arith.constant 0 : i32
    %sign3A_1 = arith.cmpi sgt, %add3A, %sign3A : i32
    %sign3A_2 = arith.extui %sign3A_1 : i1 to i32
    %sign3A_3 = arith.constant 0 : i32
    %sign3A_4 = arith.cmpi slt, %add3A, %sign3A_3 : i32
    %sign3A_5 = arith.extui %sign3A_4 : i1 to i32
    %sign3A_6 = arith.subi %sign3A_2, %sign3A_5 : i32
    %sign3A_7 = arith.constant 0 : i32
    %sign3A_8 = arith.cmpi sgt, %jit3A, %sign3A_7 : i32
    %sign3A_9 = arith.extui %sign3A_8 : i1 to i32
    %sign3A_10 = arith.constant 0 : i32
    %sign3A_11 = arith.cmpi slt, %jit3A, %sign3A_10 : i32
    %sign3A_12 = arith.extui %sign3A_11 : i1 to i32
    %sign3A_13 = arith.subi %sign3A_9, %sign3A_12 : i32
    %ne3A = arith.cmpi ne, %sign3A_6, %sign3A_13 : i32
    %rem3A = arith.remsi %add3A, %jit3A : i32
    %ne3A_14 = arith.constant 0 : i32
    %ne3A_15 = arith.cmpi ne, %rem3A, %ne3A_14 : i32
    %and3A = arith.andi %ne3A, %ne3A_15 : i1
    %sub3A = arith.constant 1 : i32
    %sub3A_16 = arith.subi %div3A, %sub3A : i32
    %select_n3A = arith.select %and3A, %sub3A_16, %div3A : i32
    %jit3A_17 = arith.constant 8 : i32
    %eq3A = arith.constant 0 : i32
    %eq3A_18 = arith.cmpi eq, %jit3A_17, %eq3A : i32
    %jit3A_19 = arith.constant 1 : i32
    %select_n3A_20 = arith.select %eq3A_18, %jit3A_19, %jit3A_17 : i32
    %rem3A_21 = arith.remsi %add3A, %select_n3A_20 : i32
    %ne3A_22 = arith.constant 0 : i32
    %ne3A_23 = arith.cmpi ne, %rem3A_21, %ne3A_22 : i32
    %lt3A = arith.constant 0 : i32
    %lt3A_24 = arith.cmpi slt, %rem3A_21, %lt3A : i32
    %lt3A_25 = arith.constant 0 : i32
    %lt3A_26 = arith.cmpi slt, %select_n3A_20, %lt3A_25 : i32
    %ne3A_27 = arith.xori %lt3A_24, %lt3A_26 : i1
    %and3A_28 = arith.andi %ne3A_27, %ne3A_23 : i1
    %add3A_29 = arith.addi %rem3A_21, %select_n3A_20 : i32
    %select_n3A_30 = arith.select %and3A_28, %add3A_29, %rem3A_21 : i32
    %mul3A_31 = arith.constant 512 : i32
    %mul3A_32 = arith.muli %select_n3A_30, %mul3A_31 : i32
    "tpu.region"() ({
      %run_scoped3A = tpu.sem_alloc : memref<!tpu.dma_semaphore, #tpu.memory_space<semaphore_mem>>
      %dma_start3A_61 = tpu.memref_slice %arg2[%select_n3A, %mul3A_32] : memref<4x4096xi32, #tpu.memory_space<hbm>> -> memref<1x512xi32, #tpu.memory_space<hbm>>
      %dma_start3A_62 = tpu.memref_squeeze %dma_start3A_61 : memref<1x512xi32, #tpu.memory_space<hbm>> -> memref<512xi32, #tpu.memory_space<hbm>>
      %dma_start3A_63 = tpu.memref_slice %arg2[%select_n3A, %mul3A_32] : memref<4x4096xi32, #tpu.memory_space<hbm>> -> memref<1x512xi32, #tpu.memory_space<hbm>>
      %dma_start3A_64 = tpu.memref_squeeze %dma_start3A_63 : memref<1x512xi32, #tpu.memory_space<hbm>> -> memref<512xi32, #tpu.memory_space<hbm>>
      tpu.enqueue_dma source(%dma_start3A_64 : memref<512xi32, #tpu.memory_space<hbm>>) target(%arg5 : memref<512xi32, #tpu.memory_space<vmem>>) target_semaphore(%run_scoped3A : memref<!tpu.dma_semaphore, #tpu.memory_space<semaphore_mem>>)
      %dma_wait3A_65 = tpu.memref_slice %arg2[%select_n3A, %mul3A_32] : memref<4x4096xi32, #tpu.memory_space<hbm>> -> memref<1x512xi32, #tpu.memory_space<hbm>>
      %dma_wait3A_66 = tpu.memref_squeeze %dma_wait3A_65 : memref<1x512xi32, #tpu.memory_space<hbm>> -> memref<512xi32, #tpu.memory_space<hbm>>
      %dma_wait3A_67 = tpu.memref_slice %arg2[%select_n3A, %mul3A_32] : memref<4x4096xi32, #tpu.memory_space<hbm>> -> memref<1x512xi32, #tpu.memory_space<hbm>>
      %dma_wait3A_68 = tpu.memref_squeeze %dma_wait3A_67 : memref<1x512xi32, #tpu.memory_space<hbm>> -> memref<512xi32, #tpu.memory_space<hbm>>
      tpu.wait_dma2 semaphore(%run_scoped3A : memref<!tpu.dma_semaphore, #tpu.memory_space<semaphore_mem>>) src(%dma_wait3A_68 : memref<512xi32, #tpu.memory_space<hbm>>) dst(%arg5 : memref<512xi32, #tpu.memory_space<vmem>>)
      tpu.yield
    }) : () -> ()
    %dma_start3A = arith.constant 0 : i32
    %dma_start3A_33 = tpu.memref_slice %arg5[%dma_start3A] : memref<512xi32, #tpu.memory_space<vmem>> -> memref<16xi32, #tpu.memory_space<vmem>>
    %dma_start3A_34 = arith.constant 0 : i32
    %dma_start3A_35 = arith.constant 0 : i32
    %dma_start3A_36 = tpu.memref_slice %arg3[%dma_start3A_34, %dma_start3A_35] : memref<100000x1024xf32, #tpu.memory_space<hbm>> -> memref<100000x1024xf32, #tpu.memory_space<hbm>>
    tpu.enqueue_indirect_dma source(%dma_start3A_36 : memref<100000x1024xf32, #tpu.memory_space<hbm>>) target(%arg6 : memref<16x1024xf32, #tpu.memory_space<vmem>>) offsets(%dma_start3A_33 : memref<16xi32, #tpu.memory_space<vmem>>) semaphore(%arg10 : memref<!tpu.dma_semaphore, #tpu.memory_space<semaphore_mem>>)
    %dma_start3A_37 = arith.constant 16 : i32
    %dma_start3A_38 = tpu.memref_slice %arg5[%dma_start3A_37] : memref<512xi32, #tpu.memory_space<vmem>> -> memref<16xi32, #tpu.memory_space<vmem>>
    %dma_start3A_39 = arith.constant 0 : i32
    %dma_start3A_40 = arith.constant 0 : i32
    %dma_start3A_41 = tpu.memref_slice %arg3[%dma_start3A_39, %dma_start3A_40] : memref<100000x1024xf32, #tpu.memory_space<hbm>> -> memref<100000x1024xf32, #tpu.memory_space<hbm>>
    tpu.enqueue_indirect_dma source(%dma_start3A_41 : memref<100000x1024xf32, #tpu.memory_space<hbm>>) target(%arg7 : memref<16x1024xf32, #tpu.memory_space<vmem>>) offsets(%dma_start3A_38 : memref<16xi32, #tpu.memory_space<vmem>>) semaphore(%arg11 : memref<!tpu.dma_semaphore, #tpu.memory_space<semaphore_mem>>)
    %scan3A = arith.constant 0 : i32
    %scan3A_42 = arith.constant 16 : i32
    %scan3A_43 = arith.addi %scan3A, %scan3A_42 : i32
    %scan3A_44 = arith.constant 1 : i32
    scf.for %scan3A_61 = %scan3A to %scan3A_43 step %scan3A_44  : i32 {
      %mul3A_62 = arith.constant 2 : i32
      %mul3A_63 = arith.muli %scan3A_61, %mul3A_62 : i32
      %add3A_64 = arith.constant 0 : i32
      %add3A_65 = arith.addi %add3A_64, %mul3A_63 : i32
      %mul3A_66 = arith.constant 16 : i32
      %mul3A_67 = arith.muli %add3A_65, %mul3A_66 : i32
      %dma_wait3A_68 = tpu.memref_slice %arg5[%mul3A_67] : memref<512xi32, #tpu.memory_space<vmem>> -> memref<16xi32, #tpu.memory_space<vmem>>
      %dma_wait3A_69 = arith.constant 0 : i32
      %dma_wait3A_70 = arith.constant 0 : i32
      %dma_wait3A_71 = tpu.memref_slice %arg3[%dma_wait3A_69, %dma_wait3A_70] : memref<100000x1024xf32, #tpu.memory_space<hbm>> -> memref<100000x1024xf32, #tpu.memory_space<hbm>>
      tpu.wait_indirect_dma semaphore(%arg10 : memref<!tpu.dma_semaphore, #tpu.memory_space<semaphore_mem>>) src(%dma_wait3A_71 : memref<100000x1024xf32, #tpu.memory_space<hbm>>) dst(%arg6 : memref<16x1024xf32, #tpu.memory_space<vmem>>)
      %ge3A = arith.constant 2 : i32
      %ge3A_72 = arith.cmpi sge, %add3A_65, %ge3A : i32
      %convert_element_type3A = arith.extui %ge3A_72 : i1 to i32
      %cond3A = arith.constant 0 : i32
      %cond3A_73 = arith.cmpi ne, %convert_element_type3A, %cond3A : i32
      scf.if %cond3A_73 {
        %sub3A_125 = arith.constant 2 : i32
        %sub3A_126 = arith.subi %add3A_65, %sub3A_125 : i32
        %mul3A_127 = arith.constant 16 : i32
        %mul3A_128 = arith.muli %sub3A_126, %mul3A_127 : i32
        %add3A_129 = arith.addi %mul3A_32, %mul3A_128 : i32
        %dma_wait3A_130 = arith.constant 0 : i32
        %dma_wait3A_131 = tpu.memref_slice %arg4[%select_n3A, %add3A_129, %dma_wait3A_130] : memref<4x4096x1024xf32, #tpu.memory_space<hbm>> -> memref<1x16x1024xf32, #tpu.memory_space<hbm>>
        %dma_wait3A_132 = tpu.memref_squeeze %dma_wait3A_131 : memref<1x16x1024xf32, #tpu.memory_space<hbm>> -> memref<16x1024xf32, #tpu.memory_space<hbm>>
        %dma_wait3A_133 = arith.constant 0 : i32
        %dma_wait3A_134 = tpu.memref_slice %arg4[%select_n3A, %add3A_129, %dma_wait3A_133] : memref<4x4096x1024xf32, #tpu.memory_space<hbm>> -> memref<1x16x1024xf32, #tpu.memory_space<hbm>>
        %dma_wait3A_135 = tpu.memref_squeeze %dma_wait3A_134 : memref<1x16x1024xf32, #tpu.memory_space<hbm>> -> memref<16x1024xf32, #tpu.memory_space<hbm>>
        tpu.wait_dma2 semaphore(%arg12 : memref<!tpu.dma_semaphore, #tpu.memory_space<semaphore_mem>>) src(%arg8 : memref<16x1024xf32, #tpu.memory_space<vmem>>) dst(%dma_wait3A_135 : memref<16x1024xf32, #tpu.memory_space<hbm>>)
      } else {
      }
      %scan3A_74 = arith.constant 0 : i32
      %scan3A_75 = arith.constant 16 : i32
      %scan3A_76 = arith.addi %scan3A_74, %scan3A_75 : i32
      %scan3A_77 = arith.constant 1 : i32
      scf.for %scan3A_125 = %scan3A_74 to %scan3A_76 step %scan3A_77  : i32 {
        %mul3A_126 = arith.constant 1 : i32
        %mul3A_127 = arith.muli %scan3A_125, %mul3A_126 : i32
        %add3A_128 = arith.constant 0 : i32
        %add3A_129 = arith.addi %add3A_128, %mul3A_127 : i32
        %get3A = arith.index_cast %add3A_129 : i32 to index
        %get3A_130 = arith.constant 0 : index
        %get3A_131 = tpu.vector_load %arg6[%get3A, %get3A_130] {strides = array<i32>} : memref<16x1024xf32, #tpu.memory_space<vmem>>, vector<1x16xf32>,
        %get3A_132 = vector.shape_cast %get3A_131 : vector<1x16xf32> to vector<16xf32>
        %mul3A_133 = arith.constant 3.200000e+01 : f32
        %mul3A_134 = vector.broadcast %mul3A_133 : f32 to vector<16xf32>
        %mul3A_135 = arith.mulf %get3A_132, %mul3A_134 : vector<16xf32>
        %swap3A = arith.index_cast %add3A_129 : i32 to index
        %swap3A_136 = arith.constant 0 : index
        %swap3A_137 = tpu.vector_load %arg8[%swap3A, %swap3A_136] {strides = array<i32>} : memref<16x1024xf32, #tpu.memory_space<vmem>>, vector<1x16xf32>,
        %swap3A_138 = vector.shape_cast %swap3A_137 : vector<1x16xf32> to vector<16xf32>
        %swap3A_139 = vector.shape_cast %mul3A_135 : vector<16xf32> to vector<1x16xf32>
        tpu.vector_store %arg8[%swap3A, %swap3A_136], %swap3A_139 {strides = array<i32>} : memref<16x1024xf32, #tpu.memory_space<vmem>>, vector<1x16xf32>,
        %get3A_140 = arith.index_cast %add3A_129 : i32 to index
        %get3A_141 = arith.constant 16 : index
        %get3A_142 = tpu.vector_load %arg6[%get3A_140, %get3A_141] {strides = array<i32>} : memref<16x1024xf32, #tpu.memory_space<vmem>>, vector<1x16xf32>,
        %get3A_143 = vector.shape_cast %get3A_142 : vector<1x16xf32> to vector<16xf32>
        %mul3A_144 = arith.constant 3.200000e+01 : f32
        %mul3A_145 = vector.broadcast %mul3A_144 : f32 to vector<16xf32>
        %mul3A_146 = arith.mulf %get3A_143, %mul3A_145 : vector<16xf32>
        %swap3A_147 = arith.index_cast %add3A_129 : i32 to index
        %swap3A_148 = arith.constant 16 : index
        %swap3A_149 = tpu.vector_load %arg8[%swap3A_147, %swap3A_148] {strides = array<i32>} : memref<16x1024xf32, #tpu.memory_space<vmem>>, vector<1x16xf32>,
        %swap3A_150 = vector.shape_cast %swap3A_149 : vector<1x16xf32> to vector<16xf32>
        %swap3A_151 = vector.shape_cast %mul3A_146 : vector<16xf32> to vector<1x16xf32>
        tpu.vector_store %arg8[%swap3A_147, %swap3A_148], %swap3A_151 {strides = array<i32>} : memref<16x1024xf32, #tpu.memory_space<vmem>>, vector<1x16xf32>,
        %get3A_152 = arith.index_cast %add3A_129 : i32 to index
        %get3A_153 = arith.constant 32 : index
        %get3A_154 = tpu.vector_load %arg6[%get3A_152, %get3A_153] {strides = array<i32>} : memref<16x1024xf32, #tpu.memory_space<vmem>>, vector<1x16xf32>,
        %get3A_155 = vector.shape_cast %get3A_154 : vector<1x16xf32> to vector<16xf32>
        %mul3A_156 = arith.constant 3.200000e+01 : f32
        %mul3A_157 = vector.broadcast %mul3A_156 : f32 to vector<16xf32>
        %mul3A_158 = arith.mulf %get3A_155, %mul3A_157 : vector<16xf32>
        %swap3A_159 = arith.index_cast %add3A_129 : i32 to index
        %swap3A_160 = arith.constant 32 : index
        %swap3A_161 = tpu.vector_load %arg8[%swap3A_159, %swap3A_160] {strides = array<i32>} : memref<16x1024xf32, #tpu.memory_space<vmem>>, vector<1x16xf32>,
        %swap3A_162 = vector.shape_cast %swap3A_161 : vector<1x16xf32> to vector<16xf32>
        %swap3A_163 = vector.shape_cast %mul3A_158 : vector<16xf32> to vector<1x16xf32>
        tpu.vector_store %arg8[%swap3A_159, %swap3A_160], %swap3A_163 {strides = array<i32>} : memref<16x1024xf32, #tpu.memory_space<vmem>>, vector<1x16xf32>,
        %get3A_164 = arith.index_cast %add3A_129 : i32 to index
        %get3A_165 = arith.constant 48 : index
        %get3A_166 = tpu.vector_load %arg6[%get3A_164, %get3A_165] {strides = array<i32>} : memref<16x1024xf32, #tpu.memory_space<vmem>>, vector<1x16xf32>,
        %get3A_167 = vector.shape_cast %get3A_166 : vector<1x16xf32> to vector<16xf32>
        %mul3A_168 = arith.constant 3.200000e+01 : f32
        %mul3A_169 = vector.broadcast %mul3A_168 : f32 to vector<16xf32>
        %mul3A_170 = arith.mulf %get3A_167, %mul3A_169 : vector<16xf32>
        %swap3A_171 = arith.index_cast %add3A_129 : i32 to index
        %swap3A_172 = arith.constant 48 : index
        %swap3A_173 = tpu.vector_load %arg8[%swap3A_171, %swap3A_172] {strides = array<i32>} : memref<16x1024xf32, #tpu.memory_space<vmem>>, vector<1x16xf32>,
        %swap3A_174 = vector.shape_cast %swap3A_173 : vector<1x16xf32> to vector<16xf32>
        %swap3A_175 = vector.shape_cast %mul3A_170 : vector<16xf32> to vector<1x16xf32>
        tpu.vector_store %arg8[%swap3A_171, %swap3A_172], %swap3A_175 {strides = array<i32>} : memref<16x1024xf32, #tpu.memory_space<vmem>>, vector<1x16xf32>,
        %get3A_176 = arith.index_cast %add3A_129 : i32 to index
        %get3A_177 = arith.constant 64 : index
        %get3A_178 = tpu.vector_load %arg6[%get3A_176, %get3A_177] {strides = array<i32>} : memref<16x1024xf32, #tpu.memory_space<vmem>>, vector<1x16xf32>,
        %get3A_179 = vector.shape_cast %get3A_178 : vector<1x16xf32> to vector<16xf32>
        %mul3A_180 = arith.constant 3.200000e+01 : f32
        %mul3A_181 = vector.broadcast %mul3A_180 : f32 to vector<16xf32>
        %mul3A_182 = arith.mulf %get3A_179, %mul3A_181 : vector<16xf32>
        %swap3A_183 = arith.index_cast %add3A_129 : i32 to index
        %swap3A_184 = arith.constant 64 : index
        %swap3A_185 = tpu.vector_load %arg8[%swap3A_183, %swap3A_184] {strides = array<i32>} : memref<16x1024xf32, #tpu.memory_space<vmem>>, vector<1x16xf32>,
        %swap3A_186 = vector.shape_cast %swap3A_185 : vector<1x16xf32> to vector<16xf32>
        %swap3A_187 = vector.shape_cast %mul3A_182 : vector<16xf32> to vector<1x16xf32>
        tpu.vector_store %arg8[%swap3A_183, %swap3A_184], %swap3A_187 {strides = array<i32>} : memref<16x1024xf32, #tpu.memory_space<vmem>>, vector<1x16xf32>,
        %get3A_188 = arith.index_cast %add3A_129 : i32 to index
        %get3A_189 = arith.constant 80 : index
        %get3A_190 = tpu.vector_load %arg6[%get3A_188, %get3A_189] {strides = array<i32>} : memref<16x1024xf32, #tpu.memory_space<vmem>>, vector<1x16xf32>,
        %get3A_191 = vector.shape_cast %get3A_190 : vector<1x16xf32> to vector<16xf32>
        %mul3A_192 = arith.constant 3.200000e+01 : f32
        %mul3A_193 = vector.broadcast %mul3A_192 : f32 to vector<16xf32>
        %mul3A_194 = arith.mulf %get3A_191, %mul3A_193 : vector<16xf32>
        %swap3A_195 = arith.index_cast %add3A_129 : i32 to index
        %swap3A_196 = arith.constant 80 : index
        %swap3A_197 = tpu.vector_load %arg8[%swap3A_195, %swap3A_196] {strides = array<i32>} : memref<16x1024xf32, #tpu.memory_space<vmem>>, vector<1x16xf32>,
        %swap3A_198 = vector.shape_cast %swap3A_197 : vector<1x16xf32> to vector<16xf32>
        %swap3A_199 = vector.shape_cast %mul3A_194 : vector<16xf32> to vector<1x16xf32>
        tpu.vector_store %arg8[%swap3A_195, %swap3A_196], %swap3A_199 {strides = array<i32>} : memref<16x1024xf32, #tpu.memory_space<vmem>>, vector<1x16xf32>,
        %get3A_200 = arith.index_cast %add3A_129 : i32 to index
        %get3A_201 = arith.constant 96 : index
        %get3A_202 = tpu.vector_load %arg6[%get3A_200, %get3A_201] {strides = array<i32>} : memref<16x1024xf32, #tpu.memory_space<vmem>>, vector<1x16xf32>,
        %get3A_203 = vector.shape_cast %get3A_202 : vector<1x16xf32> to vector<16xf32>
        %mul3A_204 = arith.constant 3.200000e+01 : f32
        %mul3A_205 = vector.broadcast %mul3A_204 : f32 to vector<16xf32>
        %mul3A_206 = arith.mulf %get3A_203, %mul3A_205 : vector<16xf32>
        %swap3A_207 = arith.index_cast %add3A_129 : i32 to index
        %swap3A_208 = arith.constant 96 : index
        %swap3A_209 = tpu.vector_load %arg8[%swap3A_207, %swap3A_208] {strides = array<i32>} : memref<16x1024xf32, #tpu.memory_space<vmem>>, vector<1x16xf32>,
        %swap3A_210 = vector.shape_cast %swap3A_209 : vector<1x16xf32> to vector<16xf32>
        %swap3A_211 = vector.shape_cast %mul3A_206 : vector<16xf32> to vector<1x16xf32>
        tpu.vector_store %arg8[%swap3A_207, %swap3A_208], %swap3A_211 {strides = array<i32>} : memref<16x1024xf32, #tpu.memory_space<vmem>>, vector<1x16xf32>,
        %get3A_212 = arith.index_cast %add3A_129 : i32 to index
        %get3A_213 = arith.constant 112 : index
        %get3A_214 = tpu.vector_load %arg6[%get3A_212, %get3A_213] {strides = array<i32>} : memref<16x1024xf32, #tpu.memory_space<vmem>>, vector<1x16xf32>,
        %get3A_215 = vector.shape_cast %get3A_214 : vector<1x16xf32> to vector<16xf32>
        %mul3A_216 = arith.constant 3.200000e+01 : f32
        %mul3A_217 = vector.broadcast %mul3A_216 : f32 to vector<16xf32>
        %mul3A_218 = arith.mulf %get3A_215, %mul3A_217 : vector<16xf32>
        %swap3A_219 = arith.index_cast %add3A_129 : i32 to index
        %swap3A_220 = arith.constant 112 : index
        %swap3A_221 = tpu.vector_load %arg8[%swap3A_219, %swap3A_220] {strides = array<i32>} : memref<16x1024xf32, #tpu.memory_space<vmem>>, vector<1x16xf32>,
        %swap3A_222 = vector.shape_cast %swap3A_221 : vector<1x16xf32> to vector<16xf32>
        %swap3A_223 = vector.shape_cast %mul3A_218 : vector<16xf32> to vector<1x16xf32>
        tpu.vector_store %arg8[%swap3A_219, %swap3A_220], %swap3A_223 {strides = array<i32>} : memref<16x1024xf32, #tpu.memory_space<vmem>>, vector<1x16xf32>,
        %get3A_224 = arith.index_cast %add3A_129 : i32 to index
        %get3A_225 = arith.constant 128 : index
        %get3A_226 = tpu.vector_load %arg6[%get3A_224, %get3A_225] {strides = array<i32>} : memref<16x1024xf32, #tpu.memory_space<vmem>>, vector<1x16xf32>,
        %get3A_227 = vector.shape_cast %get3A_226 : vector<1x16xf32> to vector<16xf32>
        %mul3A_228 = arith.constant 3.200000e+01 : f32
        %mul3A_229 = vector.broadcast %mul3A_228 : f32 to vector<16xf32>
        %mul3A_230 = arith.mulf %get3A_227, %mul3A_229 : vector<16xf32>
        %swap3A_231 = arith.index_cast %add3A_129 : i32 to index
        %swap3A_232 = arith.constant 128 : index
        %swap3A_233 = tpu.vector_load %arg8[%swap3A_231, %swap3A_232] {strides = array<i32>} : memref<16x1024xf32, #tpu.memory_space<vmem>>, vector<1x16xf32>,
        %swap3A_234 = vector.shape_cast %swap3A_233 : vector<1x16xf32> to vector<16xf32>
        %swap3A_235 = vector.shape_cast %mul3A_230 : vector<16xf32> to vector<1x16xf32>
        tpu.vector_store %arg8[%swap3A_231, %swap3A_232], %swap3A_235 {strides = array<i32>} : memref<16x1024xf32, #tpu.memory_space<vmem>>, vector<1x16xf32>,
        %get3A_236 = arith.index_cast %add3A_129 : i32 to index
        %get3A_237 = arith.constant 144 : index
        %get3A_238 = tpu.vector_load %arg6[%get3A_236, %get3A_237] {strides = array<i32>} : memref<16x1024xf32, #tpu.memory_space<vmem>>, vector<1x16xf32>,
        %get3A_239 = vector.shape_cast %get3A_238 : vector<1x16xf32> to vector<16xf32>
        %mul3A_240 = arith.constant 3.200000e+01 : f32
        %mul3A_241 = vector.broadcast %mul3A_240 : f32 to vector<16xf32>
        %mul3A_242 = arith.mulf %get3A_239, %mul3A_241 : vector<16xf32>
        %swap3A_243 = arith.index_cast %add3A_129 : i32 to index
        %swap3A_244 = arith.constant 144 : index
        %swap3A_245 = tpu.vector_load %arg8[%swap3A_243, %swap3A_244] {strides = array<i32>} : memref<16x1024xf32, #tpu.memory_space<vmem>>, vector<1x16xf32>,
        %swap3A_246 = vector.shape_cast %swap3A_245 : vector<1x16xf32> to vector<16xf32>
        %swap3A_247 = vector.shape_cast %mul3A_242 : vector<16xf32> to vector<1x16xf32>
        tpu.vector_store %arg8[%swap3A_243, %swap3A_244], %swap3A_247 {strides = array<i32>} : memref<16x1024xf32, #tpu.memory_space<vmem>>, vector<1x16xf32>,
        %get3A_248 = arith.index_cast %add3A_129 : i32 to index
        %get3A_249 = arith.constant 160 : index
        %get3A_250 = tpu.vector_load %arg6[%get3A_248, %get3A_249] {strides = array<i32>} : memref<16x1024xf32, #tpu.memory_space<vmem>>, vector<1x16xf32>,
        %get3A_251 = vector.shape_cast %get3A_250 : vector<1x16xf32> to vector<16xf32>
        %mul3A_252 = arith.constant 3.200000e+01 : f32
        %mul3A_253 = vector.broadcast %mul3A_252 : f32 to vector<16xf32>
        %mul3A_254 = arith.mulf %get3A_251, %mul3A_253 : vector<16xf32>
        %swap3A_255 = arith.index_cast %add3A_129 : i32 to index
        %swap3A_256 = arith.constant 160 : index
        %swap3A_257 = tpu.vector_load %arg8[%swap3A_255, %swap3A_256] {strides = array<i32>} : memref<16x1024xf32, #tpu.memory_space<vmem>>, vector<1x16xf32>,
        %swap3A_258 = vector.shape_cast %swap3A_257 : vector<1x16xf32> to vector<16xf32>
        %swap3A_259 = vector.shape_cast %mul3A_254 : vector<16xf32> to vector<1x16xf32>
        tpu.vector_store %arg8[%swap3A_255, %swap3A_256], %swap3A_259 {strides = array<i32>} : memref<16x1024xf32, #tpu.memory_space<vmem>>, vector<1x16xf32>,
        %get3A_260 = arith.index_cast %add3A_129 : i32 to index
        %get3A_261 = arith.constant 176 : index
        %get3A_262 = tpu.vector_load %arg6[%get3A_260, %get3A_261] {strides = array<i32>} : memref<16x1024xf32, #tpu.memory_space<vmem>>, vector<1x16xf32>,
        %get3A_263 = vector.shape_cast %get3A_262 : vector<1x16xf32> to vector<16xf32>
        %mul3A_264 = arith.constant 3.200000e+01 : f32
        %mul3A_265 = vector.broadcast %mul3A_264 : f32 to vector<16xf32>
        %mul3A_266 = arith.mulf %get3A_263, %mul3A_265 : vector<16xf32>
        %swap3A_267 = arith.index_cast %add3A_129 : i32 to index
        %swap3A_268 = arith.constant 176 : index
        %swap3A_269 = tpu.vector_load %arg8[%swap3A_267, %swap3A_268] {strides = array<i32>} : memref<16x1024xf32, #tpu.memory_space<vmem>>, vector<1x16xf32>,
        %swap3A_270 = vector.shape_cast %swap3A_269 : vector<1x16xf32> to vector<16xf32>
        %swap3A_271 = vector.shape_cast %mul3A_266 : vector<16xf32> to vector<1x16xf32>
        tpu.vector_store %arg8[%swap3A_267, %swap3A_268], %swap3A_271 {strides = array<i32>} : memref<16x1024xf32, #tpu.memory_space<vmem>>, vector<1x16xf32>,
        %get3A_272 = arith.index_cast %add3A_129 : i32 to index
        %get3A_273 = arith.constant 192 : index
        %get3A_274 = tpu.vector_load %arg6[%get3A_272, %get3A_273] {strides = array<i32>} : memref<16x1024xf32, #tpu.memory_space<vmem>>, vector<1x16xf32>,
        %get3A_275 = vector.shape_cast %get3A_274 : vector<1x16xf32> to vector<16xf32>
        %mul3A_276 = arith.constant 3.200000e+01 : f32
        %mul3A_277 = vector.broadcast %mul3A_276 : f32 to vector<16xf32>
        %mul3A_278 = arith.mulf %get3A_275, %mul3A_277 : vector<16xf32>
        %swap3A_279 = arith.index_cast %add3A_129 : i32 to index
        %swap3A_280 = arith.constant 192 : index
        %swap3A_281 = tpu.vector_load %arg8[%swap3A_279, %swap3A_280] {strides = array<i32>} : memref<16x1024xf32, #tpu.memory_space<vmem>>, vector<1x16xf32>,
        %swap3A_282 = vector.shape_cast %swap3A_281 : vector<1x16xf32> to vector<16xf32>
        %swap3A_283 = vector.shape_cast %mul3A_278 : vector<16xf32> to vector<1x16xf32>
        tpu.vector_store %arg8[%swap3A_279, %swap3A_280], %swap3A_283 {strides = array<i32>} : memref<16x1024xf32, #tpu.memory_space<vmem>>, vector<1x16xf32>,
        %get3A_284 = arith.index_cast %add3A_129 : i32 to index
        %get3A_285 = arith.constant 208 : index
        %get3A_286 = tpu.vector_load %arg6[%get3A_284, %get3A_285] {strides = array<i32>} : memref<16x1024xf32, #tpu.memory_space<vmem>>, vector<1x16xf32>,
        %get3A_287 = vector.shape_cast %get3A_286 : vector<1x16xf32> to vector<16xf32>
        %mul3A_288 = arith.constant 3.200000e+01 : f32
        %mul3A_289 = vector.broadcast %mul3A_288 : f32 to vector<16xf32>
        %mul3A_290 = arith.mulf %get3A_287, %mul3A_289 : vector<16xf32>
        %swap3A_291 = arith.index_cast %add3A_129 : i32 to index
        %swap3A_292 = arith.constant 208 : index
        %swap3A_293 = tpu.vector_load %arg8[%swap3A_291, %swap3A_292] {strides = array<i32>} : memref<16x1024xf32, #tpu.memory_space<vmem>>, vector<1x16xf32>,
        %swap3A_294 = vector.shape_cast %swap3A_293 : vector<1x16xf32> to vector<16xf32>
        %swap3A_295 = vector.shape_cast %mul3A_290 : vector<16xf32> to vector<1x16xf32>
        tpu.vector_store %arg8[%swap3A_291, %swap3A_292], %swap3A_295 {strides = array<i32>} : memref<16x1024xf32, #tpu.memory_space<vmem>>, vector<1x16xf32>,
        %get3A_296 = arith.index_cast %add3A_129 : i32 to index
        %get3A_297 = arith.constant 224 : index
        %get3A_298 = tpu.vector_load %arg6[%get3A_296, %get3A_297] {strides = array<i32>} : memref<16x1024xf32, #tpu.memory_space<vmem>>, vector<1x16xf32>,
        %get3A_299 = vector.shape_cast %get3A_298 : vector<1x16xf32> to vector<16xf32>
        %mul3A_300 = arith.constant 3.200000e+01 : f32
        %mul3A_301 = vector.broadcast %mul3A_300 : f32 to vector<16xf32>
        %mul3A_302 = arith.mulf %get3A_299, %mul3A_301 : vector<16xf32>
        %swap3A_303 = arith.index_cast %add3A_129 : i32 to index
        %swap3A_304 = arith.constant 224 : index
        %swap3A_305 = tpu.vector_load %arg8[%swap3A_303, %swap3A_304] {strides = array<i32>} : memref<16x1024xf32, #tpu.memory_space<vmem>>, vector<1x16xf32>,
        %swap3A_306 = vector.shape_cast %swap3A_305 : vector<1x16xf32> to vector<16xf32>
        %swap3A_307 = vector.shape_cast %mul3A_302 : vector<16xf32> to vector<1x16xf32>
        tpu.vector_store %arg8[%swap3A_303, %swap3A_304], %swap3A_307 {strides = array<i32>} : memref<16x1024xf32, #tpu.memory_space<vmem>>, vector<1x16xf32>,
        %get3A_308 = arith.index_cast %add3A_129 : i32 to index
        %get3A_309 = arith.constant 240 : index
        %get3A_310 = tpu.vector_load %arg6[%get3A_308, %get3A_309] {strides = array<i32>} : memref<16x1024xf32, #tpu.memory_space<vmem>>, vector<1x16xf32>,
        %get3A_311 = vector.shape_cast %get3A_310 : vector<1x16xf32> to vector<16xf32>
        %mul3A_312 = arith.constant 3.200000e+01 : f32
        %mul3A_313 = vector.broadcast %mul3A_312 : f32 to vector<16xf32>
        %mul3A_314 = arith.mulf %get3A_311, %mul3A_313 : vector<16xf32>
        %swap3A_315 = arith.index_cast %add3A_129 : i32 to index
        %swap3A_316 = arith.constant 240 : index
        %swap3A_317 = tpu.vector_load %arg8[%swap3A_315, %swap3A_316] {strides = array<i32>} : memref<16x1024xf32, #tpu.memory_space<vmem>>, vector<1x16xf32>,
        %swap3A_318 = vector.shape_cast %swap3A_317 : vector<1x16xf32> to vector<16xf32>
        %swap3A_319 = vector.shape_cast %mul3A_314 : vector<16xf32> to vector<1x16xf32>
        tpu.vector_store %arg8[%swap3A_315, %swap3A_316], %swap3A_319 {strides = array<i32>} : memref<16x1024xf32, #tpu.memory_space<vmem>>, vector<1x16xf32>,
        %get3A_320 = arith.index_cast %add3A_129 : i32 to index
        %get3A_321 = arith.constant 256 : index
        %get3A_322 = tpu.vector_load %arg6[%get3A_320, %get3A_321] {strides = array<i32>} : memref<16x1024xf32, #tpu.memory_space<vmem>>, vector<1x16xf32>,
        %get3A_323 = vector.shape_cast %get3A_322 : vector<1x16xf32> to vector<16xf32>
        %mul3A_324 = arith.constant 3.200000e+01 : f32
        %mul3A_325 = vector.broadcast %mul3A_324 : f32 to vector<16xf32>
        %mul3A_326 = arith.mulf %get3A_323, %mul3A_325 : vector<16xf32>
        %swap3A_327 = arith.index_cast %add3A_129 : i32 to index
        %swap3A_328 = arith.constant 256 : index
        %swap3A_329 = tpu.vector_load %arg8[%swap3A_327, %swap3A_328] {strides = array<i32>} : memref<16x1024xf32, #tpu.memory_space<vmem>>, vector<1x16xf32>,
        %swap3A_330 = vector.shape_cast %swap3A_329 : vector<1x16xf32> to vector<16xf32>
        %swap3A_331 = vector.shape_cast %mul3A_326 : vector<16xf32> to vector<1x16xf32>
        tpu.vector_store %arg8[%swap3A_327, %swap3A_328], %swap3A_331 {strides = array<i32>} : memref<16x1024xf32, #tpu.memory_space<vmem>>, vector<1x16xf32>,
        %get3A_332 = arith.index_cast %add3A_129 : i32 to index
        %get3A_333 = arith.constant 272 : index
        %get3A_334 = tpu.vector_load %arg6[%get3A_332, %get3A_333] {strides = array<i32>} : memref<16x1024xf32, #tpu.memory_space<vmem>>, vector<1x16xf32>,
        %get3A_335 = vector.shape_cast %get3A_334 : vector<1x16xf32> to vector<16xf32>
        %mul3A_336 = arith.constant 3.200000e+01 : f32
        %mul3A_337 = vector.broadcast %mul3A_336 : f32 to vector<16xf32>
        %mul3A_338 = arith.mulf %get3A_335, %mul3A_337 : vector<16xf32>
        %swap3A_339 = arith.index_cast %add3A_129 : i32 to index
        %swap3A_340 = arith.constant 272 : index
        %swap3A_341 = tpu.vector_load %arg8[%swap3A_339, %swap3A_340] {strides = array<i32>} : memref<16x1024xf32, #tpu.memory_space<vmem>>, vector<1x16xf32>,
        %swap3A_342 = vector.shape_cast %swap3A_341 : vector<1x16xf32> to vector<16xf32>
        %swap3A_343 = vector.shape_cast %mul3A_338 : vector<16xf32> to vector<1x16xf32>
        tpu.vector_store %arg8[%swap3A_339, %swap3A_340], %swap3A_343 {strides = array<i32>} : memref<16x1024xf32, #tpu.memory_space<vmem>>, vector<1x16xf32>,
        %get3A_344 = arith.index_cast %add3A_129 : i32 to index
        %get3A_345 = arith.constant 288 : index
        %get3A_346 = tpu.vector_load %arg6[%get3A_344, %get3A_345] {strides = array<i32>} : memref<16x1024xf32, #tpu.memory_space<vmem>>, vector<1x16xf32>,
        %get3A_347 = vector.shape_cast %get3A_346 : vector<1x16xf32> to vector<16xf32>
        %mul3A_348 = arith.constant 3.200000e+01 : f32
        %mul3A_349 = vector.broadcast %mul3A_348 : f32 to vector<16xf32>
        %mul3A_350 = arith.mulf %get3A_347, %mul3A_349 : vector<16xf32>
        %swap3A_351 = arith.index_cast %add3A_129 : i32 to index
        %swap3A_352 = arith.constant 288 : index
        %swap3A_353 = tpu.vector_load %arg8[%swap3A_351, %swap3A_352] {strides = array<i32>} : memref<16x1024xf32, #tpu.memory_space<vmem>>, vector<1x16xf32>,
        %swap3A_354 = vector.shape_cast %swap3A_353 : vector<1x16xf32> to vector<16xf32>
        %swap3A_355 = vector.shape_cast %mul3A_350 : vector<16xf32> to vector<1x16xf32>
        tpu.vector_store %arg8[%swap3A_351, %swap3A_352], %swap3A_355 {strides = array<i32>} : memref<16x1024xf32, #tpu.memory_space<vmem>>, vector<1x16xf32>,
        %get3A_356 = arith.index_cast %add3A_129 : i32 to index
        %get3A_357 = arith.constant 304 : index
        %get3A_358 = tpu.vector_load %arg6[%get3A_356, %get3A_357] {strides = array<i32>} : memref<16x1024xf32, #tpu.memory_space<vmem>>, vector<1x16xf32>,
        %get3A_359 = vector.shape_cast %get3A_358 : vector<1x16xf32> to vector<16xf32>
        %mul3A_360 = arith.constant 3.200000e+01 : f32
        %mul3A_361 = vector.broadcast %mul3A_360 : f32 to vector<16xf32>
        %mul3A_362 = arith.mulf %get3A_359, %mul3A_361 : vector<16xf32>
        %swap3A_363 = arith.index_cast %add3A_129 : i32 to index
        %swap3A_364 = arith.constant 304 : index
        %swap3A_365 = tpu.vector_load %arg8[%swap3A_363, %swap3A_364] {strides = array<i32>} : memref<16x1024xf32, #tpu.memory_space<vmem>>, vector<1x16xf32>,
        %swap3A_366 = vector.shape_cast %swap3A_365 : vector<1x16xf32> to vector<16xf32>
        %swap3A_367 = vector.shape_cast %mul3A_362 : vector<16xf32> to vector<1x16xf32>
        tpu.vector_store %arg8[%swap3A_363, %swap3A_364], %swap3A_367 {strides = array<i32>} : memref<16x1024xf32, #tpu.memory_space<vmem>>, vector<1x16xf32>,
        %get3A_368 = arith.index_cast %add3A_129 : i32 to index
        %get3A_369 = arith.constant 320 : index
        %get3A_370 = tpu.vector_load %arg6[%get3A_368, %get3A_369] {strides = array<i32>} : memref<16x1024xf32, #tpu.memory_space<vmem>>, vector<1x16xf32>,
        %get3A_371 = vector.shape_cast %get3A_370 : vector<1x16xf32> to vector<16xf32>
        %mul3A_372 = arith.constant 3.200000e+01 : f32
        %mul3A_373 = vector.broadcast %mul3A_372 : f32 to vector<16xf32>
        %mul3A_374 = arith.mulf %get3A_371, %mul3A_373 : vector<16xf32>
        %swap3A_375 = arith.index_cast %add3A_129 : i32 to index
        %swap3A_376 = arith.constant 320 : index
        %swap3A_377 = tpu.vector_load %arg8[%swap3A_375, %swap3A_376] {strides = array<i32>} : memref<16x1024xf32, #tpu.memory_space<vmem>>, vector<1x16xf32>,
        %swap3A_378 = vector.shape_cast %swap3A_377 : vector<1x16xf32> to vector<16xf32>
        %swap3A_379 = vector.shape_cast %mul3A_374 : vector<16xf32> to vector<1x16xf32>
        tpu.vector_store %arg8[%swap3A_375, %swap3A_376], %swap3A_379 {strides = array<i32>} : memref<16x1024xf32, #tpu.memory_space<vmem>>, vector<1x16xf32>,
        %get3A_380 = arith.index_cast %add3A_129 : i32 to index
        %get3A_381 = arith.constant 336 : index
        %get3A_382 = tpu.vector_load %arg6[%get3A_380, %get3A_381] {strides = array<i32>} : memref<16x1024xf32, #tpu.memory_space<vmem>>, vector<1x16xf32>,
        %get3A_383 = vector.shape_cast %get3A_382 : vector<1x16xf32> to vector<16xf32>
        %mul3A_384 = arith.constant 3.200000e+01 : f32
        %mul3A_385 = vector.broadcast %mul3A_384 : f32 to vector<16xf32>
        %mul3A_386 = arith.mulf %get3A_383, %mul3A_385 : vector<16xf32>
        %swap3A_387 = arith.index_cast %add3A_129 : i32 to index
        %swap3A_388 = arith.constant 336 : index
        %swap3A_389 = tpu.vector_load %arg8[%swap3A_387, %swap3A_388] {strides = array<i32>} : memref<16x1024xf32, #tpu.memory_space<vmem>>, vector<1x16xf32>,
        %swap3A_390 = vector.shape_cast %swap3A_389 : vector<1x16xf32> to vector<16xf32>
        %swap3A_391 = vector.shape_cast %mul3A_386 : vector<16xf32> to vector<1x16xf32>
        tpu.vector_store %arg8[%swap3A_387, %swap3A_388], %swap3A_391 {strides = array<i32>} : memref<16x1024xf32, #tpu.memory_space<vmem>>, vector<1x16xf32>,
        %get3A_392 = arith.index_cast %add3A_129 : i32 to index
        %get3A_393 = arith.constant 352 : index
        %get3A_394 = tpu.vector_load %arg6[%get3A_392, %get3A_393] {strides = array<i32>} : memref<16x1024xf32, #tpu.memory_space<vmem>>, vector<1x16xf32>,
        %get3A_395 = vector.shape_cast %get3A_394 : vector<1x16xf32> to vector<16xf32>
        %mul3A_396 = arith.constant 3.200000e+01 : f32
        %mul3A_397 = vector.broadcast %mul3A_396 : f32 to vector<16xf32>
        %mul3A_398 = arith.mulf %get3A_395, %mul3A_397 : vector<16xf32>
        %swap3A_399 = arith.index_cast %add3A_129 : i32 to index
        %swap3A_400 = arith.constant 352 : index
        %swap3A_401 = tpu.vector_load %arg8[%swap3A_399, %swap3A_400] {strides = array<i32>} : memref<16x1024xf32, #tpu.memory_space<vmem>>, vector<1x16xf32>,
        %swap3A_402 = vector.shape_cast %swap3A_401 : vector<1x16xf32> to vector<16xf32>
        %swap3A_403 = vector.shape_cast %mul3A_398 : vector<16xf32> to vector<1x16xf32>
        tpu.vector_store %arg8[%swap3A_399, %swap3A_400], %swap3A_403 {strides = array<i32>} : memref<16x1024xf32, #tpu.memory_space<vmem>>, vector<1x16xf32>,
        %get3A_404 = arith.index_cast %add3A_129 : i32 to index
        %get3A_405 = arith.constant 368 : index
        %get3A_406 = tpu.vector_load %arg6[%get3A_404, %get3A_405] {strides = array<i32>} : memref<16x1024xf32, #tpu.memory_space<vmem>>, vector<1x16xf32>,
        %get3A_407 = vector.shape_cast %get3A_406 : vector<1x16xf32> to vector<16xf32>
        %mul3A_408 = arith.constant 3.200000e+01 : f32
        %mul3A_409 = vector.broadcast %mul3A_408 : f32 to vector<16xf32>
        %mul3A_410 = arith.mulf %get3A_407, %mul3A_409 : vector<16xf32>
        %swap3A_411 = arith.index_cast %add3A_129 : i32 to index
        %swap3A_412 = arith.constant 368 : index
        %swap3A_413 = tpu.vector_load %arg8[%swap3A_411, %swap3A_412] {strides = array<i32>} : memref<16x1024xf32, #tpu.memory_space<vmem>>, vector<1x16xf32>,
        %swap3A_414 = vector.shape_cast %swap3A_413 : vector<1x16xf32> to vector<16xf32>
        %swap3A_415 = vector.shape_cast %mul3A_410 : vector<16xf32> to vector<1x16xf32>
        tpu.vector_store %arg8[%swap3A_411, %swap3A_412], %swap3A_415 {strides = array<i32>} : memref<16x1024xf32, #tpu.memory_space<vmem>>, vector<1x16xf32>,
        %get3A_416 = arith.index_cast %add3A_129 : i32 to index
        %get3A_417 = arith.constant 384 : index
        %get3A_418 = tpu.vector_load %arg6[%get3A_416, %get3A_417] {strides = array<i32>} : memref<16x1024xf32, #tpu.memory_space<vmem>>, vector<1x16xf32>,
        %get3A_419 = vector.shape_cast %get3A_418 : vector<1x16xf32> to vector<16xf32>
        %mul3A_420 = arith.constant 3.200000e+01 : f32
        %mul3A_421 = vector.broadcast %mul3A_420 : f32 to vector<16xf32>
        %mul3A_422 = arith.mulf %get3A_419, %mul3A_421 : vector<16xf32>
        %swap3A_423 = arith.index_cast %add3A_129 : i32 to index
        %swap3A_424 = arith.constant 384 : index
        %swap3A_425 = tpu.vector_load %arg8[%swap3A_423, %swap3A_424] {strides = array<i32>} : memref<16x1024xf32, #tpu.memory_space<vmem>>, vector<1x16xf32>,
        %swap3A_426 = vector.shape_cast %swap3A_425 : vector<1x16xf32> to vector<16xf32>
        %swap3A_427 = vector.shape_cast %mul3A_422 : vector<16xf32> to vector<1x16xf32>
        tpu.vector_store %arg8[%swap3A_423, %swap3A_424], %swap3A_427 {strides = array<i32>} : memref<16x1024xf32, #tpu.memory_space<vmem>>, vector<1x16xf32>,
        %get3A_428 = arith.index_cast %add3A_129 : i32 to index
        %get3A_429 = arith.constant 400 : index
        %get3A_430 = tpu.vector_load %arg6[%get3A_428, %get3A_429] {strides = array<i32>} : memref<16x1024xf32, #tpu.memory_space<vmem>>, vector<1x16xf32>,
        %get3A_431 = vector.shape_cast %get3A_430 : vector<1x16xf32> to vector<16xf32>
        %mul3A_432 = arith.constant 3.200000e+01 : f32
        %mul3A_433 = vector.broadcast %mul3A_432 : f32 to vector<16xf32>
        %mul3A_434 = arith.mulf %get3A_431, %mul3A_433 : vector<16xf32>
        %swap3A_435 = arith.index_cast %add3A_129 : i32 to index
        %swap3A_436 = arith.constant 400 : index
        %swap3A_437 = tpu.vector_load %arg8[%swap3A_435, %swap3A_436] {strides = array<i32>} : memref<16x1024xf32, #tpu.memory_space<vmem>>, vector<1x16xf32>,
        %swap3A_438 = vector.shape_cast %swap3A_437 : vector<1x16xf32> to vector<16xf32>
        %swap3A_439 = vector.shape_cast %mul3A_434 : vector<16xf32> to vector<1x16xf32>
        tpu.vector_store %arg8[%swap3A_435, %swap3A_436], %swap3A_439 {strides = array<i32>} : memref<16x1024xf32, #tpu.memory_space<vmem>>, vector<1x16xf32>,
        %get3A_440 = arith.index_cast %add3A_129 : i32 to index
        %get3A_441 = arith.constant 416 : index
        %get3A_442 = tpu.vector_load %arg6[%get3A_440, %get3A_441] {strides = array<i32>} : memref<16x1024xf32, #tpu.memory_space<vmem>>, vector<1x16xf32>,
        %get3A_443 = vector.shape_cast %get3A_442 : vector<1x16xf32> to vector<16xf32>
        %mul3A_444 = arith.constant 3.200000e+01 : f32
        %mul3A_445 = vector.broadcast %mul3A_444 : f32 to vector<16xf32>
        %mul3A_446 = arith.mulf %get3A_443, %mul3A_445 : vector<16xf32>
        %swap3A_447 = arith.index_cast %add3A_129 : i32 to index
        %swap3A_448 = arith.constant 416 : index
        %swap3A_449 = tpu.vector_load %arg8[%swap3A_447, %swap3A_448] {strides = array<i32>} : memref<16x1024xf32, #tpu.memory_space<vmem>>, vector<1x16xf32>,
        %swap3A_450 = vector.shape_cast %swap3A_449 : vector<1x16xf32> to vector<16xf32>
        %swap3A_451 = vector.shape_cast %mul3A_446 : vector<16xf32> to vector<1x16xf32>
        tpu.vector_store %arg8[%swap3A_447, %swap3A_448], %swap3A_451 {strides = array<i32>} : memref<16x1024xf32, #tpu.memory_space<vmem>>, vector<1x16xf32>,
        %get3A_452 = arith.index_cast %add3A_129 : i32 to index
        %get3A_453 = arith.constant 432 : index
        %get3A_454 = tpu.vector_load %arg6[%get3A_452, %get3A_453] {strides = array<i32>} : memref<16x1024xf32, #tpu.memory_space<vmem>>, vector<1x16xf32>,
        %get3A_455 = vector.shape_cast %get3A_454 : vector<1x16xf32> to vector<16xf32>
        %mul3A_456 = arith.constant 3.200000e+01 : f32
        %mul3A_457 = vector.broadcast %mul3A_456 : f32 to vector<16xf32>
        %mul3A_458 = arith.mulf %get3A_455, %mul3A_457 : vector<16xf32>
        %swap3A_459 = arith.index_cast %add3A_129 : i32 to index
        %swap3A_460 = arith.constant 432 : index
        %swap3A_461 = tpu.vector_load %arg8[%swap3A_459, %swap3A_460] {strides = array<i32>} : memref<16x1024xf32, #tpu.memory_space<vmem>>, vector<1x16xf32>,
        %swap3A_462 = vector.shape_cast %swap3A_461 : vector<1x16xf32> to vector<16xf32>
        %swap3A_463 = vector.shape_cast %mul3A_458 : vector<16xf32> to vector<1x16xf32>
        tpu.vector_store %arg8[%swap3A_459, %swap3A_460], %swap3A_463 {strides = array<i32>} : memref<16x1024xf32, #tpu.memory_space<vmem>>, vector<1x16xf32>,
        %get3A_464 = arith.index_cast %add3A_129 : i32 to index
        %get3A_465 = arith.constant 448 : index
        %get3A_466 = tpu.vector_load %arg6[%get3A_464, %get3A_465] {strides = array<i32>} : memref<16x1024xf32, #tpu.memory_space<vmem>>, vector<1x16xf32>,
        %get3A_467 = vector.shape_cast %get3A_466 : vector<1x16xf32> to vector<16xf32>
        %mul3A_468 = arith.constant 3.200000e+01 : f32
        %mul3A_469 = vector.broadcast %mul3A_468 : f32 to vector<16xf32>
        %mul3A_470 = arith.mulf %get3A_467, %mul3A_469 : vector<16xf32>
        %swap3A_471 = arith.index_cast %add3A_129 : i32 to index
        %swap3A_472 = arith.constant 448 : index
        %swap3A_473 = tpu.vector_load %arg8[%swap3A_471, %swap3A_472] {strides = array<i32>} : memref<16x1024xf32, #tpu.memory_space<vmem>>, vector<1x16xf32>,
        %swap3A_474 = vector.shape_cast %swap3A_473 : vector<1x16xf32> to vector<16xf32>
        %swap3A_475 = vector.shape_cast %mul3A_470 : vector<16xf32> to vector<1x16xf32>
        tpu.vector_store %arg8[%swap3A_471, %swap3A_472], %swap3A_475 {strides = array<i32>} : memref<16x1024xf32, #tpu.memory_space<vmem>>, vector<1x16xf32>,
        %get3A_476 = arith.index_cast %add3A_129 : i32 to index
        %get3A_477 = arith.constant 464 : index
        %get3A_478 = tpu.vector_load %arg6[%get3A_476, %get3A_477] {strides = array<i32>} : memref<16x1024xf32, #tpu.memory_space<vmem>>, vector<1x16xf32>,
        %get3A_479 = vector.shape_cast %get3A_478 : vector<1x16xf32> to vector<16xf32>
        %mul3A_480 = arith.constant 3.200000e+01 : f32
        %mul3A_481 = vector.broadcast %mul3A_480 : f32 to vector<16xf32>
        %mul3A_482 = arith.mulf %get3A_479, %mul3A_481 : vector<16xf32>
        %swap3A_483 = arith.index_cast %add3A_129 : i32 to index
        %swap3A_484 = arith.constant 464 : index
        %swap3A_485 = tpu.vector_load %arg8[%swap3A_483, %swap3A_484] {strides = array<i32>} : memref<16x1024xf32, #tpu.memory_space<vmem>>, vector<1x16xf32>,
        %swap3A_486 = vector.shape_cast %swap3A_485 : vector<1x16xf32> to vector<16xf32>
        %swap3A_487 = vector.shape_cast %mul3A_482 : vector<16xf32> to vector<1x16xf32>
        tpu.vector_store %arg8[%swap3A_483, %swap3A_484], %swap3A_487 {strides = array<i32>} : memref<16x1024xf32, #tpu.memory_space<vmem>>, vector<1x16xf32>,
        %get3A_488 = arith.index_cast %add3A_129 : i32 to index
        %get3A_489 = arith.constant 480 : index
        %get3A_490 = tpu.vector_load %arg6[%get3A_488, %get3A_489] {strides = array<i32>} : memref<16x1024xf32, #tpu.memory_space<vmem>>, vector<1x16xf32>,
        %get3A_491 = vector.shape_cast %get3A_490 : vector<1x16xf32> to vector<16xf32>
        %mul3A_492 = arith.constant 3.200000e+01 : f32
        %mul3A_493 = vector.broadcast %mul3A_492 : f32 to vector<16xf32>
        %mul3A_494 = arith.mulf %get3A_491, %mul3A_493 : vector<16xf32>
        %swap3A_495 = arith.index_cast %add3A_129 : i32 to index
        %swap3A_496 = arith.constant 480 : index
        %swap3A_497 = tpu.vector_load %arg8[%swap3A_495, %swap3A_496] {strides = array<i32>} : memref<16x1024xf32, #tpu.memory_space<vmem>>, vector<1x16xf32>,
        %swap3A_498 = vector.shape_cast %swap3A_497 : vector<1x16xf32> to vector<16xf32>
        %swap3A_499 = vector.shape_cast %mul3A_494 : vector<16xf32> to vector<1x16xf32>
        tpu.vector_store %arg8[%swap3A_495, %swap3A_496], %swap3A_499 {strides = array<i32>} : memref<16x1024xf32, #tpu.memory_space<vmem>>, vector<1x16xf32>,
        %get3A_500 = arith.index_cast %add3A_129 : i32 to index
        %get3A_501 = arith.constant 496 : index
        %get3A_502 = tpu.vector_load %arg6[%get3A_500, %get3A_501] {strides = array<i32>} : memref<16x1024xf32, #tpu.memory_space<vmem>>, vector<1x16xf32>,
        %get3A_503 = vector.shape_cast %get3A_502 : vector<1x16xf32> to vector<16xf32>
        %mul3A_504 = arith.constant 3.200000e+01 : f32
        %mul3A_505 = vector.broadcast %mul3A_504 : f32 to vector<16xf32>
        %mul3A_506 = arith.mulf %get3A_503, %mul3A_505 : vector<16xf32>
        %swap3A_507 = arith.index_cast %add3A_129 : i32 to index
        %swap3A_508 = arith.constant 496 : index
        %swap3A_509 = tpu.vector_load %arg8[%swap3A_507, %swap3A_508] {strides = array<i32>} : memref<16x1024xf32, #tpu.memory_space<vmem>>, vector<1x16xf32>,
        %swap3A_510 = vector.shape_cast %swap3A_509 : vector<1x16xf32> to vector<16xf32>
        %swap3A_511 = vector.shape_cast %mul3A_506 : vector<16xf32> to vector<1x16xf32>
        tpu.vector_store %arg8[%swap3A_507, %swap3A_508], %swap3A_511 {strides = array<i32>} : memref<16x1024xf32, #tpu.memory_space<vmem>>, vector<1x16xf32>,
        %get3A_512 = arith.index_cast %add3A_129 : i32 to index
        %get3A_513 = arith.constant 512 : index
        %get3A_514 = tpu.vector_load %arg6[%get3A_512, %get3A_513] {strides = array<i32>} : memref<16x1024xf32, #tpu.memory_space<vmem>>, vector<1x16xf32>,
        %get3A_515 = vector.shape_cast %get3A_514 : vector<1x16xf32> to vector<16xf32>
        %mul3A_516 = arith.constant 3.200000e+01 : f32
        %mul3A_517 = vector.broadcast %mul3A_516 : f32 to vector<16xf32>
        %mul3A_518 = arith.mulf %get3A_515, %mul3A_517 : vector<16xf32>
        %swap3A_519 = arith.index_cast %add3A_129 : i32 to index
        %swap3A_520 = arith.constant 512 : index
        %swap3A_521 = tpu.vector_load %arg8[%swap3A_519, %swap3A_520] {strides = array<i32>} : memref<16x1024xf32, #tpu.memory_space<vmem>>, vector<1x16xf32>,
        %swap3A_522 = vector.shape_cast %swap3A_521 : vector<1x16xf32> to vector<16xf32>
        %swap3A_523 = vector.shape_cast %mul3A_518 : vector<16xf32> to vector<1x16xf32>
        tpu.vector_store %arg8[%swap3A_519, %swap3A_520], %swap3A_523 {strides = array<i32>} : memref<16x1024xf32, #tpu.memory_space<vmem>>, vector<1x16xf32>,
        %get3A_524 = arith.index_cast %add3A_129 : i32 to index
        %get3A_525 = arith.constant 528 : index
        %get3A_526 = tpu.vector_load %arg6[%get3A_524, %get3A_525] {strides = array<i32>} : memref<16x1024xf32, #tpu.memory_space<vmem>>, vector<1x16xf32>,
        %get3A_527 = vector.shape_cast %get3A_526 : vector<1x16xf32> to vector<16xf32>
        %mul3A_528 = arith.constant 3.200000e+01 : f32
        %mul3A_529 = vector.broadcast %mul3A_528 : f32 to vector<16xf32>
        %mul3A_530 = arith.mulf %get3A_527, %mul3A_529 : vector<16xf32>
        %swap3A_531 = arith.index_cast %add3A_129 : i32 to index
        %swap3A_532 = arith.constant 528 : index
        %swap3A_533 = tpu.vector_load %arg8[%swap3A_531, %swap3A_532] {strides = array<i32>} : memref<16x1024xf32, #tpu.memory_space<vmem>>, vector<1x16xf32>,
        %swap3A_534 = vector.shape_cast %swap3A_533 : vector<1x16xf32> to vector<16xf32>
        %swap3A_535 = vector.shape_cast %mul3A_530 : vector<16xf32> to vector<1x16xf32>
        tpu.vector_store %arg8[%swap3A_531, %swap3A_532], %swap3A_535 {strides = array<i32>} : memref<16x1024xf32, #tpu.memory_space<vmem>>, vector<1x16xf32>,
        %get3A_536 = arith.index_cast %add3A_129 : i32 to index
        %get3A_537 = arith.constant 544 : index
        %get3A_538 = tpu.vector_load %arg6[%get3A_536, %get3A_537] {strides = array<i32>} : memref<16x1024xf32, #tpu.memory_space<vmem>>, vector<1x16xf32>,
        %get3A_539 = vector.shape_cast %get3A_538 : vector<1x16xf32> to vector<16xf32>
        %mul3A_540 = arith.constant 3.200000e+01 : f32
        %mul3A_541 = vector.broadcast %mul3A_540 : f32 to vector<16xf32>
        %mul3A_542 = arith.mulf %get3A_539, %mul3A_541 : vector<16xf32>
        %swap3A_543 = arith.index_cast %add3A_129 : i32 to index
        %swap3A_544 = arith.constant 544 : index
        %swap3A_545 = tpu.vector_load %arg8[%swap3A_543, %swap3A_544] {strides = array<i32>} : memref<16x1024xf32, #tpu.memory_space<vmem>>, vector<1x16xf32>,
        %swap3A_546 = vector.shape_cast %swap3A_545 : vector<1x16xf32> to vector<16xf32>
        %swap3A_547 = vector.shape_cast %mul3A_542 : vector<16xf32> to vector<1x16xf32>
        tpu.vector_store %arg8[%swap3A_543, %swap3A_544], %swap3A_547 {strides = array<i32>} : memref<16x1024xf32, #tpu.memory_space<vmem>>, vector<1x16xf32>,
        %get3A_548 = arith.index_cast %add3A_129 : i32 to index
        %get3A_549 = arith.constant 560 : index
        %get3A_550 = tpu.vector_load %arg6[%get3A_548, %get3A_549] {strides = array<i32>} : memref<16x1024xf32, #tpu.memory_space<vmem>>, vector<1x16xf32>,
        %get3A_551 = vector.shape_cast %get3A_550 : vector<1x16xf32> to vector<16xf32>
        %mul3A_552 = arith.constant 3.200000e+01 : f32
        %mul3A_553 = vector.broadcast %mul3A_552 : f32 to vector<16xf32>
        %mul3A_554 = arith.mulf %get3A_551, %mul3A_553 : vector<16xf32>
        %swap3A_555 = arith.index_cast %add3A_129 : i32 to index
        %swap3A_556 = arith.constant 560 : index
        %swap3A_557 = tpu.vector_load %arg8[%swap3A_555, %swap3A_556] {strides = array<i32>} : memref<16x1024xf32, #tpu.memory_space<vmem>>, vector<1x16xf32>,
        %swap3A_558 = vector.shape_cast %swap3A_557 : vector<1x16xf32> to vector<16xf32>
        %swap3A_559 = vector.shape_cast %mul3A_554 : vector<16xf32> to vector<1x16xf32>
        tpu.vector_store %arg8[%swap3A_555, %swap3A_556], %swap3A_559 {strides = array<i32>} : memref<16x1024xf32, #tpu.memory_space<vmem>>, vector<1x16xf32>,
        %get3A_560 = arith.index_cast %add3A_129 : i32 to index
        %get3A_561 = arith.constant 576 : index
        %get3A_562 = tpu.vector_load %arg6[%get3A_560, %get3A_561] {strides = array<i32>} : memref<16x1024xf32, #tpu.memory_space<vmem>>, vector<1x16xf32>,
        %get3A_563 = vector.shape_cast %get3A_562 : vector<1x16xf32> to vector<16xf32>
        %mul3A_564 = arith.constant 3.200000e+01 : f32
        %mul3A_565 = vector.broadcast %mul3A_564 : f32 to vector<16xf32>
        %mul3A_566 = arith.mulf %get3A_563, %mul3A_565 : vector<16xf32>
        %swap3A_567 = arith.index_cast %add3A_129 : i32 to index
        %swap3A_568 = arith.constant 576 : index
        %swap3A_569 = tpu.vector_load %arg8[%swap3A_567, %swap3A_568] {strides = array<i32>} : memref<16x1024xf32, #tpu.memory_space<vmem>>, vector<1x16xf32>,
        %swap3A_570 = vector.shape_cast %swap3A_569 : vector<1x16xf32> to vector<16xf32>
        %swap3A_571 = vector.shape_cast %mul3A_566 : vector<16xf32> to vector<1x16xf32>
        tpu.vector_store %arg8[%swap3A_567, %swap3A_568], %swap3A_571 {strides = array<i32>} : memref<16x1024xf32, #tpu.memory_space<vmem>>, vector<1x16xf32>,
        %get3A_572 = arith.index_cast %add3A_129 : i32 to index
        %get3A_573 = arith.constant 592 : index
        %get3A_574 = tpu.vector_load %arg6[%get3A_572, %get3A_573] {strides = array<i32>} : memref<16x1024xf32, #tpu.memory_space<vmem>>, vector<1x16xf32>,
        %get3A_575 = vector.shape_cast %get3A_574 : vector<1x16xf32> to vector<16xf32>
        %mul3A_576 = arith.constant 3.200000e+01 : f32
        %mul3A_577 = vector.broadcast %mul3A_576 : f32 to vector<16xf32>
        %mul3A_578 = arith.mulf %get3A_575, %mul3A_577 : vector<16xf32>
        %swap3A_579 = arith.index_cast %add3A_129 : i32 to index
        %swap3A_580 = arith.constant 592 : index
        %swap3A_581 = tpu.vector_load %arg8[%swap3A_579, %swap3A_580] {strides = array<i32>} : memref<16x1024xf32, #tpu.memory_space<vmem>>, vector<1x16xf32>,
        %swap3A_582 = vector.shape_cast %swap3A_581 : vector<1x16xf32> to vector<16xf32>
        %swap3A_583 = vector.shape_cast %mul3A_578 : vector<16xf32> to vector<1x16xf32>
        tpu.vector_store %arg8[%swap3A_579, %swap3A_580], %swap3A_583 {strides = array<i32>} : memref<16x1024xf32, #tpu.memory_space<vmem>>, vector<1x16xf32>,
        %get3A_584 = arith.index_cast %add3A_129 : i32 to index
        %get3A_585 = arith.constant 608 : index
        %get3A_586 = tpu.vector_load %arg6[%get3A_584, %get3A_585] {strides = array<i32>} : memref<16x1024xf32, #tpu.memory_space<vmem>>, vector<1x16xf32>,
        %get3A_587 = vector.shape_cast %get3A_586 : vector<1x16xf32> to vector<16xf32>
        %mul3A_588 = arith.constant 3.200000e+01 : f32
        %mul3A_589 = vector.broadcast %mul3A_588 : f32 to vector<16xf32>
        %mul3A_590 = arith.mulf %get3A_587, %mul3A_589 : vector<16xf32>
        %swap3A_591 = arith.index_cast %add3A_129 : i32 to index
        %swap3A_592 = arith.constant 608 : index
        %swap3A_593 = tpu.vector_load %arg8[%swap3A_591, %swap3A_592] {strides = array<i32>} : memref<16x1024xf32, #tpu.memory_space<vmem>>, vector<1x16xf32>,
        %swap3A_594 = vector.shape_cast %swap3A_593 : vector<1x16xf32> to vector<16xf32>
        %swap3A_595 = vector.shape_cast %mul3A_590 : vector<16xf32> to vector<1x16xf32>
        tpu.vector_store %arg8[%swap3A_591, %swap3A_592], %swap3A_595 {strides = array<i32>} : memref<16x1024xf32, #tpu.memory_space<vmem>>, vector<1x16xf32>,
        %get3A_596 = arith.index_cast %add3A_129 : i32 to index
        %get3A_597 = arith.constant 624 : index
        %get3A_598 = tpu.vector_load %arg6[%get3A_596, %get3A_597] {strides = array<i32>} : memref<16x1024xf32, #tpu.memory_space<vmem>>, vector<1x16xf32>,
        %get3A_599 = vector.shape_cast %get3A_598 : vector<1x16xf32> to vector<16xf32>
        %mul3A_600 = arith.constant 3.200000e+01 : f32
        %mul3A_601 = vector.broadcast %mul3A_600 : f32 to vector<16xf32>
        %mul3A_602 = arith.mulf %get3A_599, %mul3A_601 : vector<16xf32>
        %swap3A_603 = arith.index_cast %add3A_129 : i32 to index
        %swap3A_604 = arith.constant 624 : index
        %swap3A_605 = tpu.vector_load %arg8[%swap3A_603, %swap3A_604] {strides = array<i32>} : memref<16x1024xf32, #tpu.memory_space<vmem>>, vector<1x16xf32>,
        %swap3A_606 = vector.shape_cast %swap3A_605 : vector<1x16xf32> to vector<16xf32>
        %swap3A_607 = vector.shape_cast %mul3A_602 : vector<16xf32> to vector<1x16xf32>
        tpu.vector_store %arg8[%swap3A_603, %swap3A_604], %swap3A_607 {strides = array<i32>} : memref<16x1024xf32, #tpu.memory_space<vmem>>, vector<1x16xf32>,
        %get3A_608 = arith.index_cast %add3A_129 : i32 to index
        %get3A_609 = arith.constant 640 : index
        %get3A_610 = tpu.vector_load %arg6[%get3A_608, %get3A_609] {strides = array<i32>} : memref<16x1024xf32, #tpu.memory_space<vmem>>, vector<1x16xf32>,
        %get3A_611 = vector.shape_cast %get3A_610 : vector<1x16xf32> to vector<16xf32>
        %mul3A_612 = arith.constant 3.200000e+01 : f32
        %mul3A_613 = vector.broadcast %mul3A_612 : f32 to vector<16xf32>
        %mul3A_614 = arith.mulf %get3A_611, %mul3A_613 : vector<16xf32>
        %swap3A_615 = arith.index_cast %add3A_129 : i32 to index
        %swap3A_616 = arith.constant 640 : index
        %swap3A_617 = tpu.vector_load %arg8[%swap3A_615, %swap3A_616] {strides = array<i32>} : memref<16x1024xf32, #tpu.memory_space<vmem>>, vector<1x16xf32>,
        %swap3A_618 = vector.shape_cast %swap3A_617 : vector<1x16xf32> to vector<16xf32>
        %swap3A_619 = vector.shape_cast %mul3A_614 : vector<16xf32> to vector<1x16xf32>
        tpu.vector_store %arg8[%swap3A_615, %swap3A_616], %swap3A_619 {strides = array<i32>} : memref<16x1024xf32, #tpu.memory_space<vmem>>, vector<1x16xf32>,
        %get3A_620 = arith.index_cast %add3A_129 : i32 to index
        %get3A_621 = arith.constant 656 : index
        %get3A_622 = tpu.vector_load %arg6[%get3A_620, %get3A_621] {strides = array<i32>} : memref<16x1024xf32, #tpu.memory_space<vmem>>, vector<1x16xf32>,
        %get3A_623 = vector.shape_cast %get3A_622 : vector<1x16xf32> to vector<16xf32>
        %mul3A_624 = arith.constant 3.200000e+01 : f32
        %mul3A_625 = vector.broadcast %mul3A_624 : f32 to vector<16xf32>
        %mul3A_626 = arith.mulf %get3A_623, %mul3A_625 : vector<16xf32>
        %swap3A_627 = arith.index_cast %add3A_129 : i32 to index
        %swap3A_628 = arith.constant 656 : index
        %swap3A_629 = tpu.vector_load %arg8[%swap3A_627, %swap3A_628] {strides = array<i32>} : memref<16x1024xf32, #tpu.memory_space<vmem>>, vector<1x16xf32>,
        %swap3A_630 = vector.shape_cast %swap3A_629 : vector<1x16xf32> to vector<16xf32>
        %swap3A_631 = vector.shape_cast %mul3A_626 : vector<16xf32> to vector<1x16xf32>
        tpu.vector_store %arg8[%swap3A_627, %swap3A_628], %swap3A_631 {strides = array<i32>} : memref<16x1024xf32, #tpu.memory_space<vmem>>, vector<1x16xf32>,
        %get3A_632 = arith.index_cast %add3A_129 : i32 to index
        %get3A_633 = arith.constant 672 : index
        %get3A_634 = tpu.vector_load %arg6[%get3A_632, %get3A_633] {strides = array<i32>} : memref<16x1024xf32, #tpu.memory_space<vmem>>, vector<1x16xf32>,
        %get3A_635 = vector.shape_cast %get3A_634 : vector<1x16xf32> to vector<16xf32>
        %mul3A_636 = arith.constant 3.200000e+01 : f32
        %mul3A_637 = vector.broadcast %mul3A_636 : f32 to vector<16xf32>
        %mul3A_638 = arith.mulf %get3A_635, %mul3A_637 : vector<16xf32>
        %swap3A_639 = arith.index_cast %add3A_129 : i32 to index
        %swap3A_640 = arith.constant 672 : index
        %swap3A_641 = tpu.vector_load %arg8[%swap3A_639, %swap3A_640] {strides = array<i32>} : memref<16x1024xf32, #tpu.memory_space<vmem>>, vector<1x16xf32>,
        %swap3A_642 = vector.shape_cast %swap3A_641 : vector<1x16xf32> to vector<16xf32>
        %swap3A_643 = vector.shape_cast %mul3A_638 : vector<16xf32> to vector<1x16xf32>
        tpu.vector_store %arg8[%swap3A_639, %swap3A_640], %swap3A_643 {strides = array<i32>} : memref<16x1024xf32, #tpu.memory_space<vmem>>, vector<1x16xf32>,
        %get3A_644 = arith.index_cast %add3A_129 : i32 to index
        %get3A_645 = arith.constant 688 : index
        %get3A_646 = tpu.vector_load %arg6[%get3A_644, %get3A_645] {strides = array<i32>} : memref<16x1024xf32, #tpu.memory_space<vmem>>, vector<1x16xf32>,
        %get3A_647 = vector.shape_cast %get3A_646 : vector<1x16xf32> to vector<16xf32>
        %mul3A_648 = arith.constant 3.200000e+01 : f32
        %mul3A_649 = vector.broadcast %mul3A_648 : f32 to vector<16xf32>
        %mul3A_650 = arith.mulf %get3A_647, %mul3A_649 : vector<16xf32>
        %swap3A_651 = arith.index_cast %add3A_129 : i32 to index
        %swap3A_652 = arith.constant 688 : index
        %swap3A_653 = tpu.vector_load %arg8[%swap3A_651, %swap3A_652] {strides = array<i32>} : memref<16x1024xf32, #tpu.memory_space<vmem>>, vector<1x16xf32>,
        %swap3A_654 = vector.shape_cast %swap3A_653 : vector<1x16xf32> to vector<16xf32>
        %swap3A_655 = vector.shape_cast %mul3A_650 : vector<16xf32> to vector<1x16xf32>
        tpu.vector_store %arg8[%swap3A_651, %swap3A_652], %swap3A_655 {strides = array<i32>} : memref<16x1024xf32, #tpu.memory_space<vmem>>, vector<1x16xf32>,
        %get3A_656 = arith.index_cast %add3A_129 : i32 to index
        %get3A_657 = arith.constant 704 : index
        %get3A_658 = tpu.vector_load %arg6[%get3A_656, %get3A_657] {strides = array<i32>} : memref<16x1024xf32, #tpu.memory_space<vmem>>, vector<1x16xf32>,
        %get3A_659 = vector.shape_cast %get3A_658 : vector<1x16xf32> to vector<16xf32>
        %mul3A_660 = arith.constant 3.200000e+01 : f32
        %mul3A_661 = vector.broadcast %mul3A_660 : f32 to vector<16xf32>
        %mul3A_662 = arith.mulf %get3A_659, %mul3A_661 : vector<16xf32>
        %swap3A_663 = arith.index_cast %add3A_129 : i32 to index
        %swap3A_664 = arith.constant 704 : index
        %swap3A_665 = tpu.vector_load %arg8[%swap3A_663, %swap3A_664] {strides = array<i32>} : memref<16x1024xf32, #tpu.memory_space<vmem>>, vector<1x16xf32>,
        %swap3A_666 = vector.shape_cast %swap3A_665 : vector<1x16xf32> to vector<16xf32>
        %swap3A_667 = vector.shape_cast %mul3A_662 : vector<16xf32> to vector<1x16xf32>
        tpu.vector_store %arg8[%swap3A_663, %swap3A_664], %swap3A_667 {strides = array<i32>} : memref<16x1024xf32, #tpu.memory_space<vmem>>, vector<1x16xf32>,
        %get3A_668 = arith.index_cast %add3A_129 : i32 to index
        %get3A_669 = arith.constant 720 : index
        %get3A_670 = tpu.vector_load %arg6[%get3A_668, %get3A_669] {strides = array<i32>} : memref<16x1024xf32, #tpu.memory_space<vmem>>, vector<1x16xf32>,
        %get3A_671 = vector.shape_cast %get3A_670 : vector<1x16xf32> to vector<16xf32>
        %mul3A_672 = arith.constant 3.200000e+01 : f32
        %mul3A_673 = vector.broadcast %mul3A_672 : f32 to vector<16xf32>
        %mul3A_674 = arith.mulf %get3A_671, %mul3A_673 : vector<16xf32>
        %swap3A_675 = arith.index_cast %add3A_129 : i32 to index
        %swap3A_676 = arith.constant 720 : index
        %swap3A_677 = tpu.vector_load %arg8[%swap3A_675, %swap3A_676] {strides = array<i32>} : memref<16x1024xf32, #tpu.memory_space<vmem>>, vector<1x16xf32>,
        %swap3A_678 = vector.shape_cast %swap3A_677 : vector<1x16xf32> to vector<16xf32>
        %swap3A_679 = vector.shape_cast %mul3A_674 : vector<16xf32> to vector<1x16xf32>
        tpu.vector_store %arg8[%swap3A_675, %swap3A_676], %swap3A_679 {strides = array<i32>} : memref<16x1024xf32, #tpu.memory_space<vmem>>, vector<1x16xf32>,
        %get3A_680 = arith.index_cast %add3A_129 : i32 to index
        %get3A_681 = arith.constant 736 : index
        %get3A_682 = tpu.vector_load %arg6[%get3A_680, %get3A_681] {strides = array<i32>} : memref<16x1024xf32, #tpu.memory_space<vmem>>, vector<1x16xf32>,
        %get3A_683 = vector.shape_cast %get3A_682 : vector<1x16xf32> to vector<16xf32>
        %mul3A_684 = arith.constant 3.200000e+01 : f32
        %mul3A_685 = vector.broadcast %mul3A_684 : f32 to vector<16xf32>
        %mul3A_686 = arith.mulf %get3A_683, %mul3A_685 : vector<16xf32>
        %swap3A_687 = arith.index_cast %add3A_129 : i32 to index
        %swap3A_688 = arith.constant 736 : index
        %swap3A_689 = tpu.vector_load %arg8[%swap3A_687, %swap3A_688] {strides = array<i32>} : memref<16x1024xf32, #tpu.memory_space<vmem>>, vector<1x16xf32>,
        %swap3A_690 = vector.shape_cast %swap3A_689 : vector<1x16xf32> to vector<16xf32>
        %swap3A_691 = vector.shape_cast %mul3A_686 : vector<16xf32> to vector<1x16xf32>
        tpu.vector_store %arg8[%swap3A_687, %swap3A_688], %swap3A_691 {strides = array<i32>} : memref<16x1024xf32, #tpu.memory_space<vmem>>, vector<1x16xf32>,
        %get3A_692 = arith.index_cast %add3A_129 : i32 to index
        %get3A_693 = arith.constant 752 : index
        %get3A_694 = tpu.vector_load %arg6[%get3A_692, %get3A_693] {strides = array<i32>} : memref<16x1024xf32, #tpu.memory_space<vmem>>, vector<1x16xf32>,
        %get3A_695 = vector.shape_cast %get3A_694 : vector<1x16xf32> to vector<16xf32>
        %mul3A_696 = arith.constant 3.200000e+01 : f32
        %mul3A_697 = vector.broadcast %mul3A_696 : f32 to vector<16xf32>
        %mul3A_698 = arith.mulf %get3A_695, %mul3A_697 : vector<16xf32>
        %swap3A_699 = arith.index_cast %add3A_129 : i32 to index
        %swap3A_700 = arith.constant 752 : index
        %swap3A_701 = tpu.vector_load %arg8[%swap3A_699, %swap3A_700] {strides = array<i32>} : memref<16x1024xf32, #tpu.memory_space<vmem>>, vector<1x16xf32>,
        %swap3A_702 = vector.shape_cast %swap3A_701 : vector<1x16xf32> to vector<16xf32>
        %swap3A_703 = vector.shape_cast %mul3A_698 : vector<16xf32> to vector<1x16xf32>
        tpu.vector_store %arg8[%swap3A_699, %swap3A_700], %swap3A_703 {strides = array<i32>} : memref<16x1024xf32, #tpu.memory_space<vmem>>, vector<1x16xf32>,
        %get3A_704 = arith.index_cast %add3A_129 : i32 to index
        %get3A_705 = arith.constant 768 : index
        %get3A_706 = tpu.vector_load %arg6[%get3A_704, %get3A_705] {strides = array<i32>} : memref<16x1024xf32, #tpu.memory_space<vmem>>, vector<1x16xf32>,
        %get3A_707 = vector.shape_cast %get3A_706 : vector<1x16xf32> to vector<16xf32>
        %mul3A_708 = arith.constant 3.200000e+01 : f32
        %mul3A_709 = vector.broadcast %mul3A_708 : f32 to vector<16xf32>
        %mul3A_710 = arith.mulf %get3A_707, %mul3A_709 : vector<16xf32>
        %swap3A_711 = arith.index_cast %add3A_129 : i32 to index
        %swap3A_712 = arith.constant 768 : index
        %swap3A_713 = tpu.vector_load %arg8[%swap3A_711, %swap3A_712] {strides = array<i32>} : memref<16x1024xf32, #tpu.memory_space<vmem>>, vector<1x16xf32>,
        %swap3A_714 = vector.shape_cast %swap3A_713 : vector<1x16xf32> to vector<16xf32>
        %swap3A_715 = vector.shape_cast %mul3A_710 : vector<16xf32> to vector<1x16xf32>
        tpu.vector_store %arg8[%swap3A_711, %swap3A_712], %swap3A_715 {strides = array<i32>} : memref<16x1024xf32, #tpu.memory_space<vmem>>, vector<1x16xf32>,
        %get3A_716 = arith.index_cast %add3A_129 : i32 to index
        %get3A_717 = arith.constant 784 : index
        %get3A_718 = tpu.vector_load %arg6[%get3A_716, %get3A_717] {strides = array<i32>} : memref<16x1024xf32, #tpu.memory_space<vmem>>, vector<1x16xf32>,
        %get3A_719 = vector.shape_cast %get3A_718 : vector<1x16xf32> to vector<16xf32>
        %mul3A_720 = arith.constant 3.200000e+01 : f32
        %mul3A_721 = vector.broadcast %mul3A_720 : f32 to vector<16xf32>
        %mul3A_722 = arith.mulf %get3A_719, %mul3A_721 : vector<16xf32>
        %swap3A_723 = arith.index_cast %add3A_129 : i32 to index
        %swap3A_724 = arith.constant 784 : index
        %swap3A_725 = tpu.vector_load %arg8[%swap3A_723, %swap3A_724] {strides = array<i32>} : memref<16x1024xf32, #tpu.memory_space<vmem>>, vector<1x16xf32>,
        %swap3A_726 = vector.shape_cast %swap3A_725 : vector<1x16xf32> to vector<16xf32>
        %swap3A_727 = vector.shape_cast %mul3A_722 : vector<16xf32> to vector<1x16xf32>
        tpu.vector_store %arg8[%swap3A_723, %swap3A_724], %swap3A_727 {strides = array<i32>} : memref<16x1024xf32, #tpu.memory_space<vmem>>, vector<1x16xf32>,
        %get3A_728 = arith.index_cast %add3A_129 : i32 to index
        %get3A_729 = arith.constant 800 : index
        %get3A_730 = tpu.vector_load %arg6[%get3A_728, %get3A_729] {strides = array<i32>} : memref<16x1024xf32, #tpu.memory_space<vmem>>, vector<1x16xf32>,
        %get3A_731 = vector.shape_cast %get3A_730 : vector<1x16xf32> to vector<16xf32>
        %mul3A_732 = arith.constant 3.200000e+01 : f32
        %mul3A_733 = vector.broadcast %mul3A_732 : f32 to vector<16xf32>
        %mul3A_734 = arith.mulf %get3A_731, %mul3A_733 : vector<16xf32>
        %swap3A_735 = arith.index_cast %add3A_129 : i32 to index
        %swap3A_736 = arith.constant 800 : index
        %swap3A_737 = tpu.vector_load %arg8[%swap3A_735, %swap3A_736] {strides = array<i32>} : memref<16x1024xf32, #tpu.memory_space<vmem>>, vector<1x16xf32>,
        %swap3A_738 = vector.shape_cast %swap3A_737 : vector<1x16xf32> to vector<16xf32>
        %swap3A_739 = vector.shape_cast %mul3A_734 : vector<16xf32> to vector<1x16xf32>
        tpu.vector_store %arg8[%swap3A_735, %swap3A_736], %swap3A_739 {strides = array<i32>} : memref<16x1024xf32, #tpu.memory_space<vmem>>, vector<1x16xf32>,
        %get3A_740 = arith.index_cast %add3A_129 : i32 to index
        %get3A_741 = arith.constant 816 : index
        %get3A_742 = tpu.vector_load %arg6[%get3A_740, %get3A_741] {strides = array<i32>} : memref<16x1024xf32, #tpu.memory_space<vmem>>, vector<1x16xf32>,
        %get3A_743 = vector.shape_cast %get3A_742 : vector<1x16xf32> to vector<16xf32>
        %mul3A_744 = arith.constant 3.200000e+01 : f32
        %mul3A_745 = vector.broadcast %mul3A_744 : f32 to vector<16xf32>
        %mul3A_746 = arith.mulf %get3A_743, %mul3A_745 : vector<16xf32>
        %swap3A_747 = arith.index_cast %add3A_129 : i32 to index
        %swap3A_748 = arith.constant 816 : index
        %swap3A_749 = tpu.vector_load %arg8[%swap3A_747, %swap3A_748] {strides = array<i32>} : memref<16x1024xf32, #tpu.memory_space<vmem>>, vector<1x16xf32>,
        %swap3A_750 = vector.shape_cast %swap3A_749 : vector<1x16xf32> to vector<16xf32>
        %swap3A_751 = vector.shape_cast %mul3A_746 : vector<16xf32> to vector<1x16xf32>
        tpu.vector_store %arg8[%swap3A_747, %swap3A_748], %swap3A_751 {strides = array<i32>} : memref<16x1024xf32, #tpu.memory_space<vmem>>, vector<1x16xf32>,
        %get3A_752 = arith.index_cast %add3A_129 : i32 to index
        %get3A_753 = arith.constant 832 : index
        %get3A_754 = tpu.vector_load %arg6[%get3A_752, %get3A_753] {strides = array<i32>} : memref<16x1024xf32, #tpu.memory_space<vmem>>, vector<1x16xf32>,
        %get3A_755 = vector.shape_cast %get3A_754 : vector<1x16xf32> to vector<16xf32>
        %mul3A_756 = arith.constant 3.200000e+01 : f32
        %mul3A_757 = vector.broadcast %mul3A_756 : f32 to vector<16xf32>
        %mul3A_758 = arith.mulf %get3A_755, %mul3A_757 : vector<16xf32>
        %swap3A_759 = arith.index_cast %add3A_129 : i32 to index
        %swap3A_760 = arith.constant 832 : index
        %swap3A_761 = tpu.vector_load %arg8[%swap3A_759, %swap3A_760] {strides = array<i32>} : memref<16x1024xf32, #tpu.memory_space<vmem>>, vector<1x16xf32>,
        %swap3A_762 = vector.shape_cast %swap3A_761 : vector<1x16xf32> to vector<16xf32>
        %swap3A_763 = vector.shape_cast %mul3A_758 : vector<16xf32> to vector<1x16xf32>
        tpu.vector_store %arg8[%swap3A_759, %swap3A_760], %swap3A_763 {strides = array<i32>} : memref<16x1024xf32, #tpu.memory_space<vmem>>, vector<1x16xf32>,
        %get3A_764 = arith.index_cast %add3A_129 : i32 to index
        %get3A_765 = arith.constant 848 : index
        %get3A_766 = tpu.vector_load %arg6[%get3A_764, %get3A_765] {strides = array<i32>} : memref<16x1024xf32, #tpu.memory_space<vmem>>, vector<1x16xf32>,
        %get3A_767 = vector.shape_cast %get3A_766 : vector<1x16xf32> to vector<16xf32>
        %mul3A_768 = arith.constant 3.200000e+01 : f32
        %mul3A_769 = vector.broadcast %mul3A_768 : f32 to vector<16xf32>
        %mul3A_770 = arith.mulf %get3A_767, %mul3A_769 : vector<16xf32>
        %swap3A_771 = arith.index_cast %add3A_129 : i32 to index
        %swap3A_772 = arith.constant 848 : index
        %swap3A_773 = tpu.vector_load %arg8[%swap3A_771, %swap3A_772] {strides = array<i32>} : memref<16x1024xf32, #tpu.memory_space<vmem>>, vector<1x16xf32>,
        %swap3A_774 = vector.shape_cast %swap3A_773 : vector<1x16xf32> to vector<16xf32>
        %swap3A_775 = vector.shape_cast %mul3A_770 : vector<16xf32> to vector<1x16xf32>
        tpu.vector_store %arg8[%swap3A_771, %swap3A_772], %swap3A_775 {strides = array<i32>} : memref<16x1024xf32, #tpu.memory_space<vmem>>, vector<1x16xf32>,
        %get3A_776 = arith.index_cast %add3A_129 : i32 to index
        %get3A_777 = arith.constant 864 : index
        %get3A_778 = tpu.vector_load %arg6[%get3A_776, %get3A_777] {strides = array<i32>} : memref<16x1024xf32, #tpu.memory_space<vmem>>, vector<1x16xf32>,
        %get3A_779 = vector.shape_cast %get3A_778 : vector<1x16xf32> to vector<16xf32>
        %mul3A_780 = arith.constant 3.200000e+01 : f32
        %mul3A_781 = vector.broadcast %mul3A_780 : f32 to vector<16xf32>
        %mul3A_782 = arith.mulf %get3A_779, %mul3A_781 : vector<16xf32>
        %swap3A_783 = arith.index_cast %add3A_129 : i32 to index
        %swap3A_784 = arith.constant 864 : index
        %swap3A_785 = tpu.vector_load %arg8[%swap3A_783, %swap3A_784] {strides = array<i32>} : memref<16x1024xf32, #tpu.memory_space<vmem>>, vector<1x16xf32>,
        %swap3A_786 = vector.shape_cast %swap3A_785 : vector<1x16xf32> to vector<16xf32>
        %swap3A_787 = vector.shape_cast %mul3A_782 : vector<16xf32> to vector<1x16xf32>
        tpu.vector_store %arg8[%swap3A_783, %swap3A_784], %swap3A_787 {strides = array<i32>} : memref<16x1024xf32, #tpu.memory_space<vmem>>, vector<1x16xf32>,
        %get3A_788 = arith.index_cast %add3A_129 : i32 to index
        %get3A_789 = arith.constant 880 : index
        %get3A_790 = tpu.vector_load %arg6[%get3A_788, %get3A_789] {strides = array<i32>} : memref<16x1024xf32, #tpu.memory_space<vmem>>, vector<1x16xf32>,
        %get3A_791 = vector.shape_cast %get3A_790 : vector<1x16xf32> to vector<16xf32>
        %mul3A_792 = arith.constant 3.200000e+01 : f32
        %mul3A_793 = vector.broadcast %mul3A_792 : f32 to vector<16xf32>
        %mul3A_794 = arith.mulf %get3A_791, %mul3A_793 : vector<16xf32>
        %swap3A_795 = arith.index_cast %add3A_129 : i32 to index
        %swap3A_796 = arith.constant 880 : index
        %swap3A_797 = tpu.vector_load %arg8[%swap3A_795, %swap3A_796] {strides = array<i32>} : memref<16x1024xf32, #tpu.memory_space<vmem>>, vector<1x16xf32>,
        %swap3A_798 = vector.shape_cast %swap3A_797 : vector<1x16xf32> to vector<16xf32>
        %swap3A_799 = vector.shape_cast %mul3A_794 : vector<16xf32> to vector<1x16xf32>
        tpu.vector_store %arg8[%swap3A_795, %swap3A_796], %swap3A_799 {strides = array<i32>} : memref<16x1024xf32, #tpu.memory_space<vmem>>, vector<1x16xf32>,
        %get3A_800 = arith.index_cast %add3A_129 : i32 to index
        %get3A_801 = arith.constant 896 : index
        %get3A_802 = tpu.vector_load %arg6[%get3A_800, %get3A_801] {strides = array<i32>} : memref<16x1024xf32, #tpu.memory_space<vmem>>, vector<1x16xf32>,
        %get3A_803 = vector.shape_cast %get3A_802 : vector<1x16xf32> to vector<16xf32>
        %mul3A_804 = arith.constant 3.200000e+01 : f32
        %mul3A_805 = vector.broadcast %mul3A_804 : f32 to vector<16xf32>
        %mul3A_806 = arith.mulf %get3A_803, %mul3A_805 : vector<16xf32>
        %swap3A_807 = arith.index_cast %add3A_129 : i32 to index
        %swap3A_808 = arith.constant 896 : index
        %swap3A_809 = tpu.vector_load %arg8[%swap3A_807, %swap3A_808] {strides = array<i32>} : memref<16x1024xf32, #tpu.memory_space<vmem>>, vector<1x16xf32>,
        %swap3A_810 = vector.shape_cast %swap3A_809 : vector<1x16xf32> to vector<16xf32>
        %swap3A_811 = vector.shape_cast %mul3A_806 : vector<16xf32> to vector<1x16xf32>
        tpu.vector_store %arg8[%swap3A_807, %swap3A_808], %swap3A_811 {strides = array<i32>} : memref<16x1024xf32, #tpu.memory_space<vmem>>, vector<1x16xf32>,
        %get3A_812 = arith.index_cast %add3A_129 : i32 to index
        %get3A_813 = arith.constant 912 : index
        %get3A_814 = tpu.vector_load %arg6[%get3A_812, %get3A_813] {strides = array<i32>} : memref<16x1024xf32, #tpu.memory_space<vmem>>, vector<1x16xf32>,
        %get3A_815 = vector.shape_cast %get3A_814 : vector<1x16xf32> to vector<16xf32>
        %mul3A_816 = arith.constant 3.200000e+01 : f32
        %mul3A_817 = vector.broadcast %mul3A_816 : f32 to vector<16xf32>
        %mul3A_818 = arith.mulf %get3A_815, %mul3A_817 : vector<16xf32>
        %swap3A_819 = arith.index_cast %add3A_129 : i32 to index
        %swap3A_820 = arith.constant 912 : index
        %swap3A_821 = tpu.vector_load %arg8[%swap3A_819, %swap3A_820] {strides = array<i32>} : memref<16x1024xf32, #tpu.memory_space<vmem>>, vector<1x16xf32>,
        %swap3A_822 = vector.shape_cast %swap3A_821 : vector<1x16xf32> to vector<16xf32>
        %swap3A_823 = vector.shape_cast %mul3A_818 : vector<16xf32> to vector<1x16xf32>
        tpu.vector_store %arg8[%swap3A_819, %swap3A_820], %swap3A_823 {strides = array<i32>} : memref<16x1024xf32, #tpu.memory_space<vmem>>, vector<1x16xf32>,
        %get3A_824 = arith.index_cast %add3A_129 : i32 to index
        %get3A_825 = arith.constant 928 : index
        %get3A_826 = tpu.vector_load %arg6[%get3A_824, %get3A_825] {strides = array<i32>} : memref<16x1024xf32, #tpu.memory_space<vmem>>, vector<1x16xf32>,
        %get3A_827 = vector.shape_cast %get3A_826 : vector<1x16xf32> to vector<16xf32>
        %mul3A_828 = arith.constant 3.200000e+01 : f32
        %mul3A_829 = vector.broadcast %mul3A_828 : f32 to vector<16xf32>
        %mul3A_830 = arith.mulf %get3A_827, %mul3A_829 : vector<16xf32>
        %swap3A_831 = arith.index_cast %add3A_129 : i32 to index
        %swap3A_832 = arith.constant 928 : index
        %swap3A_833 = tpu.vector_load %arg8[%swap3A_831, %swap3A_832] {strides = array<i32>} : memref<16x1024xf32, #tpu.memory_space<vmem>>, vector<1x16xf32>,
        %swap3A_834 = vector.shape_cast %swap3A_833 : vector<1x16xf32> to vector<16xf32>
        %swap3A_835 = vector.shape_cast %mul3A_830 : vector<16xf32> to vector<1x16xf32>
        tpu.vector_store %arg8[%swap3A_831, %swap3A_832], %swap3A_835 {strides = array<i32>} : memref<16x1024xf32, #tpu.memory_space<vmem>>, vector<1x16xf32>,
        %get3A_836 = arith.index_cast %add3A_129 : i32 to index
        %get3A_837 = arith.constant 944 : index
        %get3A_838 = tpu.vector_load %arg6[%get3A_836, %get3A_837] {strides = array<i32>} : memref<16x1024xf32, #tpu.memory_space<vmem>>, vector<1x16xf32>,
        %get3A_839 = vector.shape_cast %get3A_838 : vector<1x16xf32> to vector<16xf32>
        %mul3A_840 = arith.constant 3.200000e+01 : f32
        %mul3A_841 = vector.broadcast %mul3A_840 : f32 to vector<16xf32>
        %mul3A_842 = arith.mulf %get3A_839, %mul3A_841 : vector<16xf32>
        %swap3A_843 = arith.index_cast %add3A_129 : i32 to index
        %swap3A_844 = arith.constant 944 : index
        %swap3A_845 = tpu.vector_load %arg8[%swap3A_843, %swap3A_844] {strides = array<i32>} : memref<16x1024xf32, #tpu.memory_space<vmem>>, vector<1x16xf32>,
        %swap3A_846 = vector.shape_cast %swap3A_845 : vector<1x16xf32> to vector<16xf32>
        %swap3A_847 = vector.shape_cast %mul3A_842 : vector<16xf32> to vector<1x16xf32>
        tpu.vector_store %arg8[%swap3A_843, %swap3A_844], %swap3A_847 {strides = array<i32>} : memref<16x1024xf32, #tpu.memory_space<vmem>>, vector<1x16xf32>,
        %get3A_848 = arith.index_cast %add3A_129 : i32 to index
        %get3A_849 = arith.constant 960 : index
        %get3A_850 = tpu.vector_load %arg6[%get3A_848, %get3A_849] {strides = array<i32>} : memref<16x1024xf32, #tpu.memory_space<vmem>>, vector<1x16xf32>,
        %get3A_851 = vector.shape_cast %get3A_850 : vector<1x16xf32> to vector<16xf32>
        %mul3A_852 = arith.constant 3.200000e+01 : f32
        %mul3A_853 = vector.broadcast %mul3A_852 : f32 to vector<16xf32>
        %mul3A_854 = arith.mulf %get3A_851, %mul3A_853 : vector<16xf32>
        %swap3A_855 = arith.index_cast %add3A_129 : i32 to index
        %swap3A_856 = arith.constant 960 : index
        %swap3A_857 = tpu.vector_load %arg8[%swap3A_855, %swap3A_856] {strides = array<i32>} : memref<16x1024xf32, #tpu.memory_space<vmem>>, vector<1x16xf32>,
        %swap3A_858 = vector.shape_cast %swap3A_857 : vector<1x16xf32> to vector<16xf32>
        %swap3A_859 = vector.shape_cast %mul3A_854 : vector<16xf32> to vector<1x16xf32>
        tpu.vector_store %arg8[%swap3A_855, %swap3A_856], %swap3A_859 {strides = array<i32>} : memref<16x1024xf32, #tpu.memory_space<vmem>>, vector<1x16xf32>,
        %get3A_860 = arith.index_cast %add3A_129 : i32 to index
        %get3A_861 = arith.constant 976 : index
        %get3A_862 = tpu.vector_load %arg6[%get3A_860, %get3A_861] {strides = array<i32>} : memref<16x1024xf32, #tpu.memory_space<vmem>>, vector<1x16xf32>,
        %get3A_863 = vector.shape_cast %get3A_862 : vector<1x16xf32> to vector<16xf32>
        %mul3A_864 = arith.constant 3.200000e+01 : f32
        %mul3A_865 = vector.broadcast %mul3A_864 : f32 to vector<16xf32>
        %mul3A_866 = arith.mulf %get3A_863, %mul3A_865 : vector<16xf32>
        %swap3A_867 = arith.index_cast %add3A_129 : i32 to index
        %swap3A_868 = arith.constant 976 : index
        %swap3A_869 = tpu.vector_load %arg8[%swap3A_867, %swap3A_868] {strides = array<i32>} : memref<16x1024xf32, #tpu.memory_space<vmem>>, vector<1x16xf32>,
        %swap3A_870 = vector.shape_cast %swap3A_869 : vector<1x16xf32> to vector<16xf32>
        %swap3A_871 = vector.shape_cast %mul3A_866 : vector<16xf32> to vector<1x16xf32>
        tpu.vector_store %arg8[%swap3A_867, %swap3A_868], %swap3A_871 {strides = array<i32>} : memref<16x1024xf32, #tpu.memory_space<vmem>>, vector<1x16xf32>,
        %get3A_872 = arith.index_cast %add3A_129 : i32 to index
        %get3A_873 = arith.constant 992 : index
        %get3A_874 = tpu.vector_load %arg6[%get3A_872, %get3A_873] {strides = array<i32>} : memref<16x1024xf32, #tpu.memory_space<vmem>>, vector<1x16xf32>,
        %get3A_875 = vector.shape_cast %get3A_874 : vector<1x16xf32> to vector<16xf32>
        %mul3A_876 = arith.constant 3.200000e+01 : f32
        %mul3A_877 = vector.broadcast %mul3A_876 : f32 to vector<16xf32>
        %mul3A_878 = arith.mulf %get3A_875, %mul3A_877 : vector<16xf32>
        %swap3A_879 = arith.index_cast %add3A_129 : i32 to index
        %swap3A_880 = arith.constant 992 : index
        %swap3A_881 = tpu.vector_load %arg8[%swap3A_879, %swap3A_880] {strides = array<i32>} : memref<16x1024xf32, #tpu.memory_space<vmem>>, vector<1x16xf32>,
        %swap3A_882 = vector.shape_cast %swap3A_881 : vector<1x16xf32> to vector<16xf32>
        %swap3A_883 = vector.shape_cast %mul3A_878 : vector<16xf32> to vector<1x16xf32>
        tpu.vector_store %arg8[%swap3A_879, %swap3A_880], %swap3A_883 {strides = array<i32>} : memref<16x1024xf32, #tpu.memory_space<vmem>>, vector<1x16xf32>,
        %get3A_884 = arith.index_cast %add3A_129 : i32 to index
        %get3A_885 = arith.constant 1008 : index
        %get3A_886 = tpu.vector_load %arg6[%get3A_884, %get3A_885] {strides = array<i32>} : memref<16x1024xf32, #tpu.memory_space<vmem>>, vector<1x16xf32>,
        %get3A_887 = vector.shape_cast %get3A_886 : vector<1x16xf32> to vector<16xf32>
        %mul3A_888 = arith.constant 3.200000e+01 : f32
        %mul3A_889 = vector.broadcast %mul3A_888 : f32 to vector<16xf32>
        %mul3A_890 = arith.mulf %get3A_887, %mul3A_889 : vector<16xf32>
        %swap3A_891 = arith.index_cast %add3A_129 : i32 to index
        %swap3A_892 = arith.constant 1008 : index
        %swap3A_893 = tpu.vector_load %arg8[%swap3A_891, %swap3A_892] {strides = array<i32>} : memref<16x1024xf32, #tpu.memory_space<vmem>>, vector<1x16xf32>,
        %swap3A_894 = vector.shape_cast %swap3A_893 : vector<1x16xf32> to vector<16xf32>
        %swap3A_895 = vector.shape_cast %mul3A_890 : vector<16xf32> to vector<1x16xf32>
        tpu.vector_store %arg8[%swap3A_891, %swap3A_892], %swap3A_895 {strides = array<i32>} : memref<16x1024xf32, #tpu.memory_space<vmem>>, vector<1x16xf32>,
      }
      %scan3A_78 = arith.constant 16 : i32
      %lt3A_79 = arith.constant 30 : i32
      %lt3A_80 = arith.cmpi slt, %add3A_65, %lt3A_79 : i32
      %convert_element_type3A_81 = arith.extui %lt3A_80 : i1 to i32
      %cond3A_82 = arith.constant 0 : i32
      %cond3A_83 = arith.cmpi ne, %convert_element_type3A_81, %cond3A_82 : i32
      scf.if %cond3A_83 {
        %add3A_125 = arith.constant 2 : i32
        %add3A_126 = arith.addi %add3A_65, %add3A_125 : i32
        %mul3A_127 = arith.constant 16 : i32
        %mul3A_128 = arith.muli %add3A_126, %mul3A_127 : i32
        %dma_start3A_129 = tpu.memref_slice %arg5[%mul3A_128] : memref<512xi32, #tpu.memory_space<vmem>> -> memref<16xi32, #tpu.memory_space<vmem>>
        %dma_start3A_130 = arith.constant 0 : i32
        %dma_start3A_131 = arith.constant 0 : i32
        %dma_start3A_132 = tpu.memref_slice %arg3[%dma_start3A_130, %dma_start3A_131] : memref<100000x1024xf32, #tpu.memory_space<hbm>> -> memref<100000x1024xf32, #tpu.memory_space<hbm>>
        tpu.enqueue_indirect_dma source(%dma_start3A_132 : memref<100000x1024xf32, #tpu.memory_space<hbm>>) target(%arg6 : memref<16x1024xf32, #tpu.memory_space<vmem>>) offsets(%dma_start3A_129 : memref<16xi32, #tpu.memory_space<vmem>>) semaphore(%arg10 : memref<!tpu.dma_semaphore, #tpu.memory_space<semaphore_mem>>)
      } else {
      }
      %mul3A_84 = arith.constant 16 : i32
      %mul3A_85 = arith.muli %add3A_65, %mul3A_84 : i32
      %add3A_86 = arith.addi %mul3A_32, %mul3A_85 : i32
      %dma_start3A_87 = arith.constant 0 : i32
      %dma_start3A_88 = tpu.memref_slice %arg4[%select_n3A, %add3A_86, %dma_start3A_87] : memref<4x4096x1024xf32, #tpu.memory_space<hbm>> -> memref<1x16x1024xf32, #tpu.memory_space<hbm>>
      %dma_start3A_89 = tpu.memref_squeeze %dma_start3A_88 : memref<1x16x1024xf32, #tpu.memory_space<hbm>> -> memref<16x1024xf32, #tpu.memory_space<hbm>>
      %dma_start3A_90 = arith.constant 0 : i32
      %dma_start3A_91 = tpu.memref_slice %arg4[%select_n3A, %add3A_86, %dma_start3A_90] : memref<4x4096x1024xf32, #tpu.memory_space<hbm>> -> memref<1x16x1024xf32, #tpu.memory_space<hbm>>
      %dma_start3A_92 = tpu.memref_squeeze %dma_start3A_91 : memref<1x16x1024xf32, #tpu.memory_space<hbm>> -> memref<16x1024xf32, #tpu.memory_space<hbm>>
      tpu.enqueue_dma source(%arg8 : memref<16x1024xf32, #tpu.memory_space<vmem>>) target(%dma_start3A_92 : memref<16x1024xf32, #tpu.memory_space<hbm>>) target_semaphore(%arg12 : memref<!tpu.dma_semaphore, #tpu.memory_space<semaphore_mem>>)
      %add3A_93 = arith.constant 1 : i32
      %add3A_94 = arith.addi %add3A_65, %add3A_93 : i32
      %mul3A_95 = arith.constant 16 : i32
      %mul3A_96 = arith.muli %add3A_94, %mul3A_95 : i32
      %dma_wait3A_97 = tpu.memref_slice %arg5[%mul3A_96] : memref<512xi32, #tpu.memory_space<vmem>> -> memref<16xi32, #tpu.memory_space<vmem>>
      %dma_wait3A_98 = arith.constant 0 : i32
      %dma_wait3A_99 = arith.constant 0 : i32
      %dma_wait3A_100 = tpu.memref_slice %arg3[%dma_wait3A_98, %dma_wait3A_99] : memref<100000x1024xf32, #tpu.memory_space<hbm>> -> memref<100000x1024xf32, #tpu.memory_space<hbm>>
      tpu.wait_indirect_dma semaphore(%arg11 : memref<!tpu.dma_semaphore, #tpu.memory_space<semaphore_mem>>) src(%dma_wait3A_100 : memref<100000x1024xf32, #tpu.memory_space<hbm>>) dst(%arg7 : memref<16x1024xf32, #tpu.memory_space<vmem>>)
      %ge3A_101 = arith.constant 2 : i32
      %ge3A_102 = arith.cmpi sge, %add3A_94, %ge3A_101 : i32
      %convert_element_type3A_103 = arith.extui %ge3A_102 : i1 to i32
      %cond3A_104 = arith.constant 0 : i32
      %cond3A_105 = arith.cmpi ne, %convert_element_type3A_103, %cond3A_104 : i32
      scf.if %cond3A_105 {
        %sub3A_125 = arith.constant 2 : i32
        %sub3A_126 = arith.subi %add3A_94, %sub3A_125 : i32
        %mul3A_127 = arith.constant 16 : i32
        %mul3A_128 = arith.muli %sub3A_126, %mul3A_127 : i32
        %add3A_129 = arith.addi %mul3A_32, %mul3A_128 : i32
        %dma_wait3A_130 = arith.constant 0 : i32
        %dma_wait3A_131 = tpu.memref_slice %arg4[%select_n3A, %add3A_129, %dma_wait3A_130] : memref<4x4096x1024xf32, #tpu.memory_space<hbm>> -> memref<1x16x1024xf32, #tpu.memory_space<hbm>>
        %dma_wait3A_132 = tpu.memref_squeeze %dma_wait3A_131 : memref<1x16x1024xf32, #tpu.memory_space<hbm>> -> memref<16x1024xf32, #tpu.memory_space<hbm>>
        %dma_wait3A_133 = arith.constant 0 : i32
        %dma_wait3A_134 = tpu.memref_slice %arg4[%select_n3A, %add3A_129, %dma_wait3A_133] : memref<4x4096x1024xf32, #tpu.memory_space<hbm>> -> memref<1x16x1024xf32, #tpu.memory_space<hbm>>
        %dma_wait3A_135 = tpu.memref_squeeze %dma_wait3A_134 : memref<1x16x1024xf32, #tpu.memory_space<hbm>> -> memref<16x1024xf32, #tpu.memory_space<hbm>>
        tpu.wait_dma2 semaphore(%arg13 : memref<!tpu.dma_semaphore, #tpu.memory_space<semaphore_mem>>) src(%arg9 : memref<16x1024xf32, #tpu.memory_space<vmem>>) dst(%dma_wait3A_135 : memref<16x1024xf32, #tpu.memory_space<hbm>>)
      } else {
      }
      %scan3A_106 = arith.constant 0 : i32
      %scan3A_107 = arith.constant 16 : i32
      %scan3A_108 = arith.addi %scan3A_106, %scan3A_107 : i32
      %scan3A_109 = arith.constant 1 : i32
      scf.for %scan3A_125 = %scan3A_106 to %scan3A_108 step %scan3A_109  : i32 {
        %mul3A_126 = arith.constant 1 : i32
        %mul3A_127 = arith.muli %scan3A_125, %mul3A_126 : i32
        %add3A_128 = arith.constant 0 : i32
        %add3A_129 = arith.addi %add3A_128, %mul3A_127 : i32
        %get3A = arith.index_cast %add3A_129 : i32 to index
        %get3A_130 = arith.constant 0 : index
        %get3A_131 = tpu.vector_load %arg7[%get3A, %get3A_130] {strides = array<i32>} : memref<16x1024xf32, #tpu.memory_space<vmem>>, vector<1x16xf32>,
        %get3A_132 = vector.shape_cast %get3A_131 : vector<1x16xf32> to vector<16xf32>
        %mul3A_133 = arith.constant 3.200000e+01 : f32
        %mul3A_134 = vector.broadcast %mul3A_133 : f32 to vector<16xf32>
        %mul3A_135 = arith.mulf %get3A_132, %mul3A_134 : vector<16xf32>
        %swap3A = arith.index_cast %add3A_129 : i32 to index
        %swap3A_136 = arith.constant 0 : index
        %swap3A_137 = tpu.vector_load %arg9[%swap3A, %swap3A_136] {strides = array<i32>} : memref<16x1024xf32, #tpu.memory_space<vmem>>, vector<1x16xf32>,
        %swap3A_138 = vector.shape_cast %swap3A_137 : vector<1x16xf32> to vector<16xf32>
        %swap3A_139 = vector.shape_cast %mul3A_135 : vector<16xf32> to vector<1x16xf32>
        tpu.vector_store %arg9[%swap3A, %swap3A_136], %swap3A_139 {strides = array<i32>} : memref<16x1024xf32, #tpu.memory_space<vmem>>, vector<1x16xf32>,
        %get3A_140 = arith.index_cast %add3A_129 : i32 to index
        %get3A_141 = arith.constant 16 : index
        %get3A_142 = tpu.vector_load %arg7[%get3A_140, %get3A_141] {strides = array<i32>} : memref<16x1024xf32, #tpu.memory_space<vmem>>, vector<1x16xf32>,
        %get3A_143 = vector.shape_cast %get3A_142 : vector<1x16xf32> to vector<16xf32>
        %mul3A_144 = arith.constant 3.200000e+01 : f32
        %mul3A_145 = vector.broadcast %mul3A_144 : f32 to vector<16xf32>
        %mul3A_146 = arith.mulf %get3A_143, %mul3A_145 : vector<16xf32>
        %swap3A_147 = arith.index_cast %add3A_129 : i32 to index
        %swap3A_148 = arith.constant 16 : index
        %swap3A_149 = tpu.vector_load %arg9[%swap3A_147, %swap3A_148] {strides = array<i32>} : memref<16x1024xf32, #tpu.memory_space<vmem>>, vector<1x16xf32>,
        %swap3A_150 = vector.shape_cast %swap3A_149 : vector<1x16xf32> to vector<16xf32>
        %swap3A_151 = vector.shape_cast %mul3A_146 : vector<16xf32> to vector<1x16xf32>
        tpu.vector_store %arg9[%swap3A_147, %swap3A_148], %swap3A_151 {strides = array<i32>} : memref<16x1024xf32, #tpu.memory_space<vmem>>, vector<1x16xf32>,
        %get3A_152 = arith.index_cast %add3A_129 : i32 to index
        %get3A_153 = arith.constant 32 : index
        %get3A_154 = tpu.vector_load %arg7[%get3A_152, %get3A_153] {strides = array<i32>} : memref<16x1024xf32, #tpu.memory_space<vmem>>, vector<1x16xf32>,
        %get3A_155 = vector.shape_cast %get3A_154 : vector<1x16xf32> to vector<16xf32>
        %mul3A_156 = arith.constant 3.200000e+01 : f32
        %mul3A_157 = vector.broadcast %mul3A_156 : f32 to vector<16xf32>
        %mul3A_158 = arith.mulf %get3A_155, %mul3A_157 : vector<16xf32>
        %swap3A_159 = arith.index_cast %add3A_129 : i32 to index
        %swap3A_160 = arith.constant 32 : index
        %swap3A_161 = tpu.vector_load %arg9[%swap3A_159, %swap3A_160] {strides = array<i32>} : memref<16x1024xf32, #tpu.memory_space<vmem>>, vector<1x16xf32>,
        %swap3A_162 = vector.shape_cast %swap3A_161 : vector<1x16xf32> to vector<16xf32>
        %swap3A_163 = vector.shape_cast %mul3A_158 : vector<16xf32> to vector<1x16xf32>
        tpu.vector_store %arg9[%swap3A_159, %swap3A_160], %swap3A_163 {strides = array<i32>} : memref<16x1024xf32, #tpu.memory_space<vmem>>, vector<1x16xf32>,
        %get3A_164 = arith.index_cast %add3A_129 : i32 to index
        %get3A_165 = arith.constant 48 : index
        %get3A_166 = tpu.vector_load %arg7[%get3A_164, %get3A_165] {strides = array<i32>} : memref<16x1024xf32, #tpu.memory_space<vmem>>, vector<1x16xf32>,
        %get3A_167 = vector.shape_cast %get3A_166 : vector<1x16xf32> to vector<16xf32>
        %mul3A_168 = arith.constant 3.200000e+01 : f32
        %mul3A_169 = vector.broadcast %mul3A_168 : f32 to vector<16xf32>
        %mul3A_170 = arith.mulf %get3A_167, %mul3A_169 : vector<16xf32>
        %swap3A_171 = arith.index_cast %add3A_129 : i32 to index
        %swap3A_172 = arith.constant 48 : index
        %swap3A_173 = tpu.vector_load %arg9[%swap3A_171, %swap3A_172] {strides = array<i32>} : memref<16x1024xf32, #tpu.memory_space<vmem>>, vector<1x16xf32>,
        %swap3A_174 = vector.shape_cast %swap3A_173 : vector<1x16xf32> to vector<16xf32>
        %swap3A_175 = vector.shape_cast %mul3A_170 : vector<16xf32> to vector<1x16xf32>
        tpu.vector_store %arg9[%swap3A_171, %swap3A_172], %swap3A_175 {strides = array<i32>} : memref<16x1024xf32, #tpu.memory_space<vmem>>, vector<1x16xf32>,
        %get3A_176 = arith.index_cast %add3A_129 : i32 to index
        %get3A_177 = arith.constant 64 : index
        %get3A_178 = tpu.vector_load %arg7[%get3A_176, %get3A_177] {strides = array<i32>} : memref<16x1024xf32, #tpu.memory_space<vmem>>, vector<1x16xf32>,
        %get3A_179 = vector.shape_cast %get3A_178 : vector<1x16xf32> to vector<16xf32>
        %mul3A_180 = arith.constant 3.200000e+01 : f32
        %mul3A_181 = vector.broadcast %mul3A_180 : f32 to vector<16xf32>
        %mul3A_182 = arith.mulf %get3A_179, %mul3A_181 : vector<16xf32>
        %swap3A_183 = arith.index_cast %add3A_129 : i32 to index
        %swap3A_184 = arith.constant 64 : index
        %swap3A_185 = tpu.vector_load %arg9[%swap3A_183, %swap3A_184] {strides = array<i32>} : memref<16x1024xf32, #tpu.memory_space<vmem>>, vector<1x16xf32>,
        %swap3A_186 = vector.shape_cast %swap3A_185 : vector<1x16xf32> to vector<16xf32>
        %swap3A_187 = vector.shape_cast %mul3A_182 : vector<16xf32> to vector<1x16xf32>
        tpu.vector_store %arg9[%swap3A_183, %swap3A_184], %swap3A_187 {strides = array<i32>} : memref<16x1024xf32, #tpu.memory_space<vmem>>, vector<1x16xf32>,
        %get3A_188 = arith.index_cast %add3A_129 : i32 to index
        %get3A_189 = arith.constant 80 : index
        %get3A_190 = tpu.vector_load %arg7[%get3A_188, %get3A_189] {strides = array<i32>} : memref<16x1024xf32, #tpu.memory_space<vmem>>, vector<1x16xf32>,
        %get3A_191 = vector.shape_cast %get3A_190 : vector<1x16xf32> to vector<16xf32>
        %mul3A_192 = arith.constant 3.200000e+01 : f32
        %mul3A_193 = vector.broadcast %mul3A_192 : f32 to vector<16xf32>
        %mul3A_194 = arith.mulf %get3A_191, %mul3A_193 : vector<16xf32>
        %swap3A_195 = arith.index_cast %add3A_129 : i32 to index
        %swap3A_196 = arith.constant 80 : index
        %swap3A_197 = tpu.vector_load %arg9[%swap3A_195, %swap3A_196] {strides = array<i32>} : memref<16x1024xf32, #tpu.memory_space<vmem>>, vector<1x16xf32>,
        %swap3A_198 = vector.shape_cast %swap3A_197 : vector<1x16xf32> to vector<16xf32>
        %swap3A_199 = vector.shape_cast %mul3A_194 : vector<16xf32> to vector<1x16xf32>
        tpu.vector_store %arg9[%swap3A_195, %swap3A_196], %swap3A_199 {strides = array<i32>} : memref<16x1024xf32, #tpu.memory_space<vmem>>, vector<1x16xf32>,
        %get3A_200 = arith.index_cast %add3A_129 : i32 to index
        %get3A_201 = arith.constant 96 : index
        %get3A_202 = tpu.vector_load %arg7[%get3A_200, %get3A_201] {strides = array<i32>} : memref<16x1024xf32, #tpu.memory_space<vmem>>, vector<1x16xf32>,
        %get3A_203 = vector.shape_cast %get3A_202 : vector<1x16xf32> to vector<16xf32>
        %mul3A_204 = arith.constant 3.200000e+01 : f32
        %mul3A_205 = vector.broadcast %mul3A_204 : f32 to vector<16xf32>
        %mul3A_206 = arith.mulf %get3A_203, %mul3A_205 : vector<16xf32>
        %swap3A_207 = arith.index_cast %add3A_129 : i32 to index
        %swap3A_208 = arith.constant 96 : index
        %swap3A_209 = tpu.vector_load %arg9[%swap3A_207, %swap3A_208] {strides = array<i32>} : memref<16x1024xf32, #tpu.memory_space<vmem>>, vector<1x16xf32>,
        %swap3A_210 = vector.shape_cast %swap3A_209 : vector<1x16xf32> to vector<16xf32>
        %swap3A_211 = vector.shape_cast %mul3A_206 : vector<16xf32> to vector<1x16xf32>
        tpu.vector_store %arg9[%swap3A_207, %swap3A_208], %swap3A_211 {strides = array<i32>} : memref<16x1024xf32, #tpu.memory_space<vmem>>, vector<1x16xf32>,
        %get3A_212 = arith.index_cast %add3A_129 : i32 to index
        %get3A_213 = arith.constant 112 : index
        %get3A_214 = tpu.vector_load %arg7[%get3A_212, %get3A_213] {strides = array<i32>} : memref<16x1024xf32, #tpu.memory_space<vmem>>, vector<1x16xf32>,
        %get3A_215 = vector.shape_cast %get3A_214 : vector<1x16xf32> to vector<16xf32>
        %mul3A_216 = arith.constant 3.200000e+01 : f32
        %mul3A_217 = vector.broadcast %mul3A_216 : f32 to vector<16xf32>
        %mul3A_218 = arith.mulf %get3A_215, %mul3A_217 : vector<16xf32>
        %swap3A_219 = arith.index_cast %add3A_129 : i32 to index
        %swap3A_220 = arith.constant 112 : index
        %swap3A_221 = tpu.vector_load %arg9[%swap3A_219, %swap3A_220] {strides = array<i32>} : memref<16x1024xf32, #tpu.memory_space<vmem>>, vector<1x16xf32>,
        %swap3A_222 = vector.shape_cast %swap3A_221 : vector<1x16xf32> to vector<16xf32>
        %swap3A_223 = vector.shape_cast %mul3A_218 : vector<16xf32> to vector<1x16xf32>
        tpu.vector_store %arg9[%swap3A_219, %swap3A_220], %swap3A_223 {strides = array<i32>} : memref<16x1024xf32, #tpu.memory_space<vmem>>, vector<1x16xf32>,
        %get3A_224 = arith.index_cast %add3A_129 : i32 to index
        %get3A_225 = arith.constant 128 : index
        %get3A_226 = tpu.vector_load %arg7[%get3A_224, %get3A_225] {strides = array<i32>} : memref<16x1024xf32, #tpu.memory_space<vmem>>, vector<1x16xf32>,
        %get3A_227 = vector.shape_cast %get3A_226 : vector<1x16xf32> to vector<16xf32>
        %mul3A_228 = arith.constant 3.200000e+01 : f32
        %mul3A_229 = vector.broadcast %mul3A_228 : f32 to vector<16xf32>
        %mul3A_230 = arith.mulf %get3A_227, %mul3A_229 : vector<16xf32>
        %swap3A_231 = arith.index_cast %add3A_129 : i32 to index
        %swap3A_232 = arith.constant 128 : index
        %swap3A_233 = tpu.vector_load %arg9[%swap3A_231, %swap3A_232] {strides = array<i32>} : memref<16x1024xf32, #tpu.memory_space<vmem>>, vector<1x16xf32>,
        %swap3A_234 = vector.shape_cast %swap3A_233 : vector<1x16xf32> to vector<16xf32>
        %swap3A_235 = vector.shape_cast %mul3A_230 : vector<16xf32> to vector<1x16xf32>
        tpu.vector_store %arg9[%swap3A_231, %swap3A_232], %swap3A_235 {strides = array<i32>} : memref<16x1024xf32, #tpu.memory_space<vmem>>, vector<1x16xf32>,
        %get3A_236 = arith.index_cast %add3A_129 : i32 to index
        %get3A_237 = arith.constant 144 : index
        %get3A_238 = tpu.vector_load %arg7[%get3A_236, %get3A_237] {strides = array<i32>} : memref<16x1024xf32, #tpu.memory_space<vmem>>, vector<1x16xf32>,
        %get3A_239 = vector.shape_cast %get3A_238 : vector<1x16xf32> to vector<16xf32>
        %mul3A_240 = arith.constant 3.200000e+01 : f32
        %mul3A_241 = vector.broadcast %mul3A_240 : f32 to vector<16xf32>
        %mul3A_242 = arith.mulf %get3A_239, %mul3A_241 : vector<16xf32>
        %swap3A_243 = arith.index_cast %add3A_129 : i32 to index
        %swap3A_244 = arith.constant 144 : index
        %swap3A_245 = tpu.vector_load %arg9[%swap3A_243, %swap3A_244] {strides = array<i32>} : memref<16x1024xf32, #tpu.memory_space<vmem>>, vector<1x16xf32>,
        %swap3A_246 = vector.shape_cast %swap3A_245 : vector<1x16xf32> to vector<16xf32>
        %swap3A_247 = vector.shape_cast %mul3A_242 : vector<16xf32> to vector<1x16xf32>
        tpu.vector_store %arg9[%swap3A_243, %swap3A_244], %swap3A_247 {strides = array<i32>} : memref<16x1024xf32, #tpu.memory_space<vmem>>, vector<1x16xf32>,
        %get3A_248 = arith.index_cast %add3A_129 : i32 to index
        %get3A_249 = arith.constant 160 : index
        %get3A_250 = tpu.vector_load %arg7[%get3A_248, %get3A_249] {strides = array<i32>} : memref<16x1024xf32, #tpu.memory_space<vmem>>, vector<1x16xf32>,
        %get3A_251 = vector.shape_cast %get3A_250 : vector<1x16xf32> to vector<16xf32>
        %mul3A_252 = arith.constant 3.200000e+01 : f32
        %mul3A_253 = vector.broadcast %mul3A_252 : f32 to vector<16xf32>
        %mul3A_254 = arith.mulf %get3A_251, %mul3A_253 : vector<16xf32>
        %swap3A_255 = arith.index_cast %add3A_129 : i32 to index
        %swap3A_256 = arith.constant 160 : index
        %swap3A_257 = tpu.vector_load %arg9[%swap3A_255, %swap3A_256] {strides = array<i32>} : memref<16x1024xf32, #tpu.memory_space<vmem>>, vector<1x16xf32>,
        %swap3A_258 = vector.shape_cast %swap3A_257 : vector<1x16xf32> to vector<16xf32>
        %swap3A_259 = vector.shape_cast %mul3A_254 : vector<16xf32> to vector<1x16xf32>
        tpu.vector_store %arg9[%swap3A_255, %swap3A_256], %swap3A_259 {strides = array<i32>} : memref<16x1024xf32, #tpu.memory_space<vmem>>, vector<1x16xf32>,
        %get3A_260 = arith.index_cast %add3A_129 : i32 to index
        %get3A_261 = arith.constant 176 : index
        %get3A_262 = tpu.vector_load %arg7[%get3A_260, %get3A_261] {strides = array<i32>} : memref<16x1024xf32, #tpu.memory_space<vmem>>, vector<1x16xf32>,
        %get3A_263 = vector.shape_cast %get3A_262 : vector<1x16xf32> to vector<16xf32>
        %mul3A_264 = arith.constant 3.200000e+01 : f32
        %mul3A_265 = vector.broadcast %mul3A_264 : f32 to vector<16xf32>
        %mul3A_266 = arith.mulf %get3A_263, %mul3A_265 : vector<16xf32>
        %swap3A_267 = arith.index_cast %add3A_129 : i32 to index
        %swap3A_268 = arith.constant 176 : index
        %swap3A_269 = tpu.vector_load %arg9[%swap3A_267, %swap3A_268] {strides = array<i32>} : memref<16x1024xf32, #tpu.memory_space<vmem>>, vector<1x16xf32>,
        %swap3A_270 = vector.shape_cast %swap3A_269 : vector<1x16xf32> to vector<16xf32>
        %swap3A_271 = vector.shape_cast %mul3A_266 : vector<16xf32> to vector<1x16xf32>
        tpu.vector_store %arg9[%swap3A_267, %swap3A_268], %swap3A_271 {strides = array<i32>} : memref<16x1024xf32, #tpu.memory_space<vmem>>, vector<1x16xf32>,
        %get3A_272 = arith.index_cast %add3A_129 : i32 to index
        %get3A_273 = arith.constant 192 : index
        %get3A_274 = tpu.vector_load %arg7[%get3A_272, %get3A_273] {strides = array<i32>} : memref<16x1024xf32, #tpu.memory_space<vmem>>, vector<1x16xf32>,
        %get3A_275 = vector.shape_cast %get3A_274 : vector<1x16xf32> to vector<16xf32>
        %mul3A_276 = arith.constant 3.200000e+01 : f32
        %mul3A_277 = vector.broadcast %mul3A_276 : f32 to vector<16xf32>
        %mul3A_278 = arith.mulf %get3A_275, %mul3A_277 : vector<16xf32>
        %swap3A_279 = arith.index_cast %add3A_129 : i32 to index
        %swap3A_280 = arith.constant 192 : index
        %swap3A_281 = tpu.vector_load %arg9[%swap3A_279, %swap3A_280] {strides = array<i32>} : memref<16x1024xf32, #tpu.memory_space<vmem>>, vector<1x16xf32>,
        %swap3A_282 = vector.shape_cast %swap3A_281 : vector<1x16xf32> to vector<16xf32>
        %swap3A_283 = vector.shape_cast %mul3A_278 : vector<16xf32> to vector<1x16xf32>
        tpu.vector_store %arg9[%swap3A_279, %swap3A_280], %swap3A_283 {strides = array<i32>} : memref<16x1024xf32, #tpu.memory_space<vmem>>, vector<1x16xf32>,
        %get3A_284 = arith.index_cast %add3A_129 : i32 to index
        %get3A_285 = arith.constant 208 : index
        %get3A_286 = tpu.vector_load %arg7[%get3A_284, %get3A_285] {strides = array<i32>} : memref<16x1024xf32, #tpu.memory_space<vmem>>, vector<1x16xf32>,
        %get3A_287 = vector.shape_cast %get3A_286 : vector<1x16xf32> to vector<16xf32>
        %mul3A_288 = arith.constant 3.200000e+01 : f32
        %mul3A_289 = vector.broadcast %mul3A_288 : f32 to vector<16xf32>
        %mul3A_290 = arith.mulf %get3A_287, %mul3A_289 : vector<16xf32>
        %swap3A_291 = arith.index_cast %add3A_129 : i32 to index
        %swap3A_292 = arith.constant 208 : index
        %swap3A_293 = tpu.vector_load %arg9[%swap3A_291, %swap3A_292] {strides = array<i32>} : memref<16x1024xf32, #tpu.memory_space<vmem>>, vector<1x16xf32>,
        %swap3A_294 = vector.shape_cast %swap3A_293 : vector<1x16xf32> to vector<16xf32>
        %swap3A_295 = vector.shape_cast %mul3A_290 : vector<16xf32> to vector<1x16xf32>
        tpu.vector_store %arg9[%swap3A_291, %swap3A_292], %swap3A_295 {strides = array<i32>} : memref<16x1024xf32, #tpu.memory_space<vmem>>, vector<1x16xf32>,
        %get3A_296 = arith.index_cast %add3A_129 : i32 to index
        %get3A_297 = arith.constant 224 : index
        %get3A_298 = tpu.vector_load %arg7[%get3A_296, %get3A_297] {strides = array<i32>} : memref<16x1024xf32, #tpu.memory_space<vmem>>, vector<1x16xf32>,
        %get3A_299 = vector.shape_cast %get3A_298 : vector<1x16xf32> to vector<16xf32>
        %mul3A_300 = arith.constant 3.200000e+01 : f32
        %mul3A_301 = vector.broadcast %mul3A_300 : f32 to vector<16xf32>
        %mul3A_302 = arith.mulf %get3A_299, %mul3A_301 : vector<16xf32>
        %swap3A_303 = arith.index_cast %add3A_129 : i32 to index
        %swap3A_304 = arith.constant 224 : index
        %swap3A_305 = tpu.vector_load %arg9[%swap3A_303, %swap3A_304] {strides = array<i32>} : memref<16x1024xf32, #tpu.memory_space<vmem>>, vector<1x16xf32>,
        %swap3A_306 = vector.shape_cast %swap3A_305 : vector<1x16xf32> to vector<16xf32>
        %swap3A_307 = vector.shape_cast %mul3A_302 : vector<16xf32> to vector<1x16xf32>
        tpu.vector_store %arg9[%swap3A_303, %swap3A_304], %swap3A_307 {strides = array<i32>} : memref<16x1024xf32, #tpu.memory_space<vmem>>, vector<1x16xf32>,
        %get3A_308 = arith.index_cast %add3A_129 : i32 to index
        %get3A_309 = arith.constant 240 : index
        %get3A_310 = tpu.vector_load %arg7[%get3A_308, %get3A_309] {strides = array<i32>} : memref<16x1024xf32, #tpu.memory_space<vmem>>, vector<1x16xf32>,
        %get3A_311 = vector.shape_cast %get3A_310 : vector<1x16xf32> to vector<16xf32>
        %mul3A_312 = arith.constant 3.200000e+01 : f32
        %mul3A_313 = vector.broadcast %mul3A_312 : f32 to vector<16xf32>
        %mul3A_314 = arith.mulf %get3A_311, %mul3A_313 : vector<16xf32>
        %swap3A_315 = arith.index_cast %add3A_129 : i32 to index
        %swap3A_316 = arith.constant 240 : index
        %swap3A_317 = tpu.vector_load %arg9[%swap3A_315, %swap3A_316] {strides = array<i32>} : memref<16x1024xf32, #tpu.memory_space<vmem>>, vector<1x16xf32>,
        %swap3A_318 = vector.shape_cast %swap3A_317 : vector<1x16xf32> to vector<16xf32>
        %swap3A_319 = vector.shape_cast %mul3A_314 : vector<16xf32> to vector<1x16xf32>
        tpu.vector_store %arg9[%swap3A_315, %swap3A_316], %swap3A_319 {strides = array<i32>} : memref<16x1024xf32, #tpu.memory_space<vmem>>, vector<1x16xf32>,
        %get3A_320 = arith.index_cast %add3A_129 : i32 to index
        %get3A_321 = arith.constant 256 : index
        %get3A_322 = tpu.vector_load %arg7[%get3A_320, %get3A_321] {strides = array<i32>} : memref<16x1024xf32, #tpu.memory_space<vmem>>, vector<1x16xf32>,
        %get3A_323 = vector.shape_cast %get3A_322 : vector<1x16xf32> to vector<16xf32>
        %mul3A_324 = arith.constant 3.200000e+01 : f32
        %mul3A_325 = vector.broadcast %mul3A_324 : f32 to vector<16xf32>
        %mul3A_326 = arith.mulf %get3A_323, %mul3A_325 : vector<16xf32>
        %swap3A_327 = arith.index_cast %add3A_129 : i32 to index
        %swap3A_328 = arith.constant 256 : index
        %swap3A_329 = tpu.vector_load %arg9[%swap3A_327, %swap3A_328] {strides = array<i32>} : memref<16x1024xf32, #tpu.memory_space<vmem>>, vector<1x16xf32>,
        %swap3A_330 = vector.shape_cast %swap3A_329 : vector<1x16xf32> to vector<16xf32>
        %swap3A_331 = vector.shape_cast %mul3A_326 : vector<16xf32> to vector<1x16xf32>
        tpu.vector_store %arg9[%swap3A_327, %swap3A_328], %swap3A_331 {strides = array<i32>} : memref<16x1024xf32, #tpu.memory_space<vmem>>, vector<1x16xf32>,
        %get3A_332 = arith.index_cast %add3A_129 : i32 to index
        %get3A_333 = arith.constant 272 : index
        %get3A_334 = tpu.vector_load %arg7[%get3A_332, %get3A_333] {strides = array<i32>} : memref<16x1024xf32, #tpu.memory_space<vmem>>, vector<1x16xf32>,
        %get3A_335 = vector.shape_cast %get3A_334 : vector<1x16xf32> to vector<16xf32>
        %mul3A_336 = arith.constant 3.200000e+01 : f32
        %mul3A_337 = vector.broadcast %mul3A_336 : f32 to vector<16xf32>
        %mul3A_338 = arith.mulf %get3A_335, %mul3A_337 : vector<16xf32>
        %swap3A_339 = arith.index_cast %add3A_129 : i32 to index
        %swap3A_340 = arith.constant 272 : index
        %swap3A_341 = tpu.vector_load %arg9[%swap3A_339, %swap3A_340] {strides = array<i32>} : memref<16x1024xf32, #tpu.memory_space<vmem>>, vector<1x16xf32>,
        %swap3A_342 = vector.shape_cast %swap3A_341 : vector<1x16xf32> to vector<16xf32>
        %swap3A_343 = vector.shape_cast %mul3A_338 : vector<16xf32> to vector<1x16xf32>
        tpu.vector_store %arg9[%swap3A_339, %swap3A_340], %swap3A_343 {strides = array<i32>} : memref<16x1024xf32, #tpu.memory_space<vmem>>, vector<1x16xf32>,
        %get3A_344 = arith.index_cast %add3A_129 : i32 to index
        %get3A_345 = arith.constant 288 : index
        %get3A_346 = tpu.vector_load %arg7[%get3A_344, %get3A_345] {strides = array<i32>} : memref<16x1024xf32, #tpu.memory_space<vmem>>, vector<1x16xf32>,
        %get3A_347 = vector.shape_cast %get3A_346 : vector<1x16xf32> to vector<16xf32>
        %mul3A_348 = arith.constant 3.200000e+01 : f32
        %mul3A_349 = vector.broadcast %mul3A_348 : f32 to vector<16xf32>
        %mul3A_350 = arith.mulf %get3A_347, %mul3A_349 : vector<16xf32>
        %swap3A_351 = arith.index_cast %add3A_129 : i32 to index
        %swap3A_352 = arith.constant 288 : index
        %swap3A_353 = tpu.vector_load %arg9[%swap3A_351, %swap3A_352] {strides = array<i32>} : memref<16x1024xf32, #tpu.memory_space<vmem>>, vector<1x16xf32>,
        %swap3A_354 = vector.shape_cast %swap3A_353 : vector<1x16xf32> to vector<16xf32>
        %swap3A_355 = vector.shape_cast %mul3A_350 : vector<16xf32> to vector<1x16xf32>
        tpu.vector_store %arg9[%swap3A_351, %swap3A_352], %swap3A_355 {strides = array<i32>} : memref<16x1024xf32, #tpu.memory_space<vmem>>, vector<1x16xf32>,
        %get3A_356 = arith.index_cast %add3A_129 : i32 to index
        %get3A_357 = arith.constant 304 : index
        %get3A_358 = tpu.vector_load %arg7[%get3A_356, %get3A_357] {strides = array<i32>} : memref<16x1024xf32, #tpu.memory_space<vmem>>, vector<1x16xf32>,
        %get3A_359 = vector.shape_cast %get3A_358 : vector<1x16xf32> to vector<16xf32>
        %mul3A_360 = arith.constant 3.200000e+01 : f32
        %mul3A_361 = vector.broadcast %mul3A_360 : f32 to vector<16xf32>
        %mul3A_362 = arith.mulf %get3A_359, %mul3A_361 : vector<16xf32>
        %swap3A_363 = arith.index_cast %add3A_129 : i32 to index
        %swap3A_364 = arith.constant 304 : index
        %swap3A_365 = tpu.vector_load %arg9[%swap3A_363, %swap3A_364] {strides = array<i32>} : memref<16x1024xf32, #tpu.memory_space<vmem>>, vector<1x16xf32>,
        %swap3A_366 = vector.shape_cast %swap3A_365 : vector<1x16xf32> to vector<16xf32>
        %swap3A_367 = vector.shape_cast %mul3A_362 : vector<16xf32> to vector<1x16xf32>
        tpu.vector_store %arg9[%swap3A_363, %swap3A_364], %swap3A_367 {strides = array<i32>} : memref<16x1024xf32, #tpu.memory_space<vmem>>, vector<1x16xf32>,
        %get3A_368 = arith.index_cast %add3A_129 : i32 to index
        %get3A_369 = arith.constant 320 : index
        %get3A_370 = tpu.vector_load %arg7[%get3A_368, %get3A_369] {strides = array<i32>} : memref<16x1024xf32, #tpu.memory_space<vmem>>, vector<1x16xf32>,
        %get3A_371 = vector.shape_cast %get3A_370 : vector<1x16xf32> to vector<16xf32>
        %mul3A_372 = arith.constant 3.200000e+01 : f32
        %mul3A_373 = vector.broadcast %mul3A_372 : f32 to vector<16xf32>
        %mul3A_374 = arith.mulf %get3A_371, %mul3A_373 : vector<16xf32>
        %swap3A_375 = arith.index_cast %add3A_129 : i32 to index
        %swap3A_376 = arith.constant 320 : index
        %swap3A_377 = tpu.vector_load %arg9[%swap3A_375, %swap3A_376] {strides = array<i32>} : memref<16x1024xf32, #tpu.memory_space<vmem>>, vector<1x16xf32>,
        %swap3A_378 = vector.shape_cast %swap3A_377 : vector<1x16xf32> to vector<16xf32>
        %swap3A_379 = vector.shape_cast %mul3A_374 : vector<16xf32> to vector<1x16xf32>
        tpu.vector_store %arg9[%swap3A_375, %swap3A_376], %swap3A_379 {strides = array<i32>} : memref<16x1024xf32, #tpu.memory_space<vmem>>, vector<1x16xf32>,
        %get3A_380 = arith.index_cast %add3A_129 : i32 to index
        %get3A_381 = arith.constant 336 : index
        %get3A_382 = tpu.vector_load %arg7[%get3A_380, %get3A_381] {strides = array<i32>} : memref<16x1024xf32, #tpu.memory_space<vmem>>, vector<1x16xf32>,
        %get3A_383 = vector.shape_cast %get3A_382 : vector<1x16xf32> to vector<16xf32>
        %mul3A_384 = arith.constant 3.200000e+01 : f32
        %mul3A_385 = vector.broadcast %mul3A_384 : f32 to vector<16xf32>
        %mul3A_386 = arith.mulf %get3A_383, %mul3A_385 : vector<16xf32>
        %swap3A_387 = arith.index_cast %add3A_129 : i32 to index
        %swap3A_388 = arith.constant 336 : index
        %swap3A_389 = tpu.vector_load %arg9[%swap3A_387, %swap3A_388] {strides = array<i32>} : memref<16x1024xf32, #tpu.memory_space<vmem>>, vector<1x16xf32>,
        %swap3A_390 = vector.shape_cast %swap3A_389 : vector<1x16xf32> to vector<16xf32>
        %swap3A_391 = vector.shape_cast %mul3A_386 : vector<16xf32> to vector<1x16xf32>
        tpu.vector_store %arg9[%swap3A_387, %swap3A_388], %swap3A_391 {strides = array<i32>} : memref<16x1024xf32, #tpu.memory_space<vmem>>, vector<1x16xf32>,
        %get3A_392 = arith.index_cast %add3A_129 : i32 to index
        %get3A_393 = arith.constant 352 : index
        %get3A_394 = tpu.vector_load %arg7[%get3A_392, %get3A_393] {strides = array<i32>} : memref<16x1024xf32, #tpu.memory_space<vmem>>, vector<1x16xf32>,
        %get3A_395 = vector.shape_cast %get3A_394 : vector<1x16xf32> to vector<16xf32>
        %mul3A_396 = arith.constant 3.200000e+01 : f32
        %mul3A_397 = vector.broadcast %mul3A_396 : f32 to vector<16xf32>
        %mul3A_398 = arith.mulf %get3A_395, %mul3A_397 : vector<16xf32>
        %swap3A_399 = arith.index_cast %add3A_129 : i32 to index
        %swap3A_400 = arith.constant 352 : index
        %swap3A_401 = tpu.vector_load %arg9[%swap3A_399, %swap3A_400] {strides = array<i32>} : memref<16x1024xf32, #tpu.memory_space<vmem>>, vector<1x16xf32>,
        %swap3A_402 = vector.shape_cast %swap3A_401 : vector<1x16xf32> to vector<16xf32>
        %swap3A_403 = vector.shape_cast %mul3A_398 : vector<16xf32> to vector<1x16xf32>
        tpu.vector_store %arg9[%swap3A_399, %swap3A_400], %swap3A_403 {strides = array<i32>} : memref<16x1024xf32, #tpu.memory_space<vmem>>, vector<1x16xf32>,
        %get3A_404 = arith.index_cast %add3A_129 : i32 to index
        %get3A_405 = arith.constant 368 : index
        %get3A_406 = tpu.vector_load %arg7[%get3A_404, %get3A_405] {strides = array<i32>} : memref<16x1024xf32, #tpu.memory_space<vmem>>, vector<1x16xf32>,
        %get3A_407 = vector.shape_cast %get3A_406 : vector<1x16xf32> to vector<16xf32>
        %mul3A_408 = arith.constant 3.200000e+01 : f32
        %mul3A_409 = vector.broadcast %mul3A_408 : f32 to vector<16xf32>
        %mul3A_410 = arith.mulf %get3A_407, %mul3A_409 : vector<16xf32>
        %swap3A_411 = arith.index_cast %add3A_129 : i32 to index
        %swap3A_412 = arith.constant 368 : index
        %swap3A_413 = tpu.vector_load %arg9[%swap3A_411, %swap3A_412] {strides = array<i32>} : memref<16x1024xf32, #tpu.memory_space<vmem>>, vector<1x16xf32>,
        %swap3A_414 = vector.shape_cast %swap3A_413 : vector<1x16xf32> to vector<16xf32>
        %swap3A_415 = vector.shape_cast %mul3A_410 : vector<16xf32> to vector<1x16xf32>
        tpu.vector_store %arg9[%swap3A_411, %swap3A_412], %swap3A_415 {strides = array<i32>} : memref<16x1024xf32, #tpu.memory_space<vmem>>, vector<1x16xf32>,
        %get3A_416 = arith.index_cast %add3A_129 : i32 to index
        %get3A_417 = arith.constant 384 : index
        %get3A_418 = tpu.vector_load %arg7[%get3A_416, %get3A_417] {strides = array<i32>} : memref<16x1024xf32, #tpu.memory_space<vmem>>, vector<1x16xf32>,
        %get3A_419 = vector.shape_cast %get3A_418 : vector<1x16xf32> to vector<16xf32>
        %mul3A_420 = arith.constant 3.200000e+01 : f32
        %mul3A_421 = vector.broadcast %mul3A_420 : f32 to vector<16xf32>
        %mul3A_422 = arith.mulf %get3A_419, %mul3A_421 : vector<16xf32>
        %swap3A_423 = arith.index_cast %add3A_129 : i32 to index
        %swap3A_424 = arith.constant 384 : index
        %swap3A_425 = tpu.vector_load %arg9[%swap3A_423, %swap3A_424] {strides = array<i32>} : memref<16x1024xf32, #tpu.memory_space<vmem>>, vector<1x16xf32>,
        %swap3A_426 = vector.shape_cast %swap3A_425 : vector<1x16xf32> to vector<16xf32>
        %swap3A_427 = vector.shape_cast %mul3A_422 : vector<16xf32> to vector<1x16xf32>
        tpu.vector_store %arg9[%swap3A_423, %swap3A_424], %swap3A_427 {strides = array<i32>} : memref<16x1024xf32, #tpu.memory_space<vmem>>, vector<1x16xf32>,
        %get3A_428 = arith.index_cast %add3A_129 : i32 to index
        %get3A_429 = arith.constant 400 : index
        %get3A_430 = tpu.vector_load %arg7[%get3A_428, %get3A_429] {strides = array<i32>} : memref<16x1024xf32, #tpu.memory_space<vmem>>, vector<1x16xf32>,
        %get3A_431 = vector.shape_cast %get3A_430 : vector<1x16xf32> to vector<16xf32>
        %mul3A_432 = arith.constant 3.200000e+01 : f32
        %mul3A_433 = vector.broadcast %mul3A_432 : f32 to vector<16xf32>
        %mul3A_434 = arith.mulf %get3A_431, %mul3A_433 : vector<16xf32>
        %swap3A_435 = arith.index_cast %add3A_129 : i32 to index
        %swap3A_436 = arith.constant 400 : index
        %swap3A_437 = tpu.vector_load %arg9[%swap3A_435, %swap3A_436] {strides = array<i32>} : memref<16x1024xf32, #tpu.memory_space<vmem>>, vector<1x16xf32>,
        %swap3A_438 = vector.shape_cast %swap3A_437 : vector<1x16xf32> to vector<16xf32>
        %swap3A_439 = vector.shape_cast %mul3A_434 : vector<16xf32> to vector<1x16xf32>
        tpu.vector_store %arg9[%swap3A_435, %swap3A_436], %swap3A_439 {strides = array<i32>} : memref<16x1024xf32, #tpu.memory_space<vmem>>, vector<1x16xf32>,
        %get3A_440 = arith.index_cast %add3A_129 : i32 to index
        %get3A_441 = arith.constant 416 : index
        %get3A_442 = tpu.vector_load %arg7[%get3A_440, %get3A_441] {strides = array<i32>} : memref<16x1024xf32, #tpu.memory_space<vmem>>, vector<1x16xf32>,
        %get3A_443 = vector.shape_cast %get3A_442 : vector<1x16xf32> to vector<16xf32>
        %mul3A_444 = arith.constant 3.200000e+01 : f32
        %mul3A_445 = vector.broadcast %mul3A_444 : f32 to vector<16xf32>
        %mul3A_446 = arith.mulf %get3A_443, %mul3A_445 : vector<16xf32>
        %swap3A_447 = arith.index_cast %add3A_129 : i32 to index
        %swap3A_448 = arith.constant 416 : index
        %swap3A_449 = tpu.vector_load %arg9[%swap3A_447, %swap3A_448] {strides = array<i32>} : memref<16x1024xf32, #tpu.memory_space<vmem>>, vector<1x16xf32>,
        %swap3A_450 = vector.shape_cast %swap3A_449 : vector<1x16xf32> to vector<16xf32>
        %swap3A_451 = vector.shape_cast %mul3A_446 : vector<16xf32> to vector<1x16xf32>
        tpu.vector_store %arg9[%swap3A_447, %swap3A_448], %swap3A_451 {strides = array<i32>} : memref<16x1024xf32, #tpu.memory_space<vmem>>, vector<1x16xf32>,
        %get3A_452 = arith.index_cast %add3A_129 : i32 to index
        %get3A_453 = arith.constant 432 : index
        %get3A_454 = tpu.vector_load %arg7[%get3A_452, %get3A_453] {strides = array<i32>} : memref<16x1024xf32, #tpu.memory_space<vmem>>, vector<1x16xf32>,
        %get3A_455 = vector.shape_cast %get3A_454 : vector<1x16xf32> to vector<16xf32>
        %mul3A_456 = arith.constant 3.200000e+01 : f32
        %mul3A_457 = vector.broadcast %mul3A_456 : f32 to vector<16xf32>
        %mul3A_458 = arith.mulf %get3A_455, %mul3A_457 : vector<16xf32>
        %swap3A_459 = arith.index_cast %add3A_129 : i32 to index
        %swap3A_460 = arith.constant 432 : index
        %swap3A_461 = tpu.vector_load %arg9[%swap3A_459, %swap3A_460] {strides = array<i32>} : memref<16x1024xf32, #tpu.memory_space<vmem>>, vector<1x16xf32>,
        %swap3A_462 = vector.shape_cast %swap3A_461 : vector<1x16xf32> to vector<16xf32>
        %swap3A_463 = vector.shape_cast %mul3A_458 : vector<16xf32> to vector<1x16xf32>
        tpu.vector_store %arg9[%swap3A_459, %swap3A_460], %swap3A_463 {strides = array<i32>} : memref<16x1024xf32, #tpu.memory_space<vmem>>, vector<1x16xf32>,
        %get3A_464 = arith.index_cast %add3A_129 : i32 to index
        %get3A_465 = arith.constant 448 : index
        %get3A_466 = tpu.vector_load %arg7[%get3A_464, %get3A_465] {strides = array<i32>} : memref<16x1024xf32, #tpu.memory_space<vmem>>, vector<1x16xf32>,
        %get3A_467 = vector.shape_cast %get3A_466 : vector<1x16xf32> to vector<16xf32>
        %mul3A_468 = arith.constant 3.200000e+01 : f32
        %mul3A_469 = vector.broadcast %mul3A_468 : f32 to vector<16xf32>
        %mul3A_470 = arith.mulf %get3A_467, %mul3A_469 : vector<16xf32>
        %swap3A_471 = arith.index_cast %add3A_129 : i32 to index
        %swap3A_472 = arith.constant 448 : index
        %swap3A_473 = tpu.vector_load %arg9[%swap3A_471, %swap3A_472] {strides = array<i32>} : memref<16x1024xf32, #tpu.memory_space<vmem>>, vector<1x16xf32>,
        %swap3A_474 = vector.shape_cast %swap3A_473 : vector<1x16xf32> to vector<16xf32>
        %swap3A_475 = vector.shape_cast %mul3A_470 : vector<16xf32> to vector<1x16xf32>
        tpu.vector_store %arg9[%swap3A_471, %swap3A_472], %swap3A_475 {strides = array<i32>} : memref<16x1024xf32, #tpu.memory_space<vmem>>, vector<1x16xf32>,
        %get3A_476 = arith.index_cast %add3A_129 : i32 to index
        %get3A_477 = arith.constant 464 : index
        %get3A_478 = tpu.vector_load %arg7[%get3A_476, %get3A_477] {strides = array<i32>} : memref<16x1024xf32, #tpu.memory_space<vmem>>, vector<1x16xf32>,
        %get3A_479 = vector.shape_cast %get3A_478 : vector<1x16xf32> to vector<16xf32>
        %mul3A_480 = arith.constant 3.200000e+01 : f32
        %mul3A_481 = vector.broadcast %mul3A_480 : f32 to vector<16xf32>
        %mul3A_482 = arith.mulf %get3A_479, %mul3A_481 : vector<16xf32>
        %swap3A_483 = arith.index_cast %add3A_129 : i32 to index
        %swap3A_484 = arith.constant 464 : index
        %swap3A_485 = tpu.vector_load %arg9[%swap3A_483, %swap3A_484] {strides = array<i32>} : memref<16x1024xf32, #tpu.memory_space<vmem>>, vector<1x16xf32>,
        %swap3A_486 = vector.shape_cast %swap3A_485 : vector<1x16xf32> to vector<16xf32>
        %swap3A_487 = vector.shape_cast %mul3A_482 : vector<16xf32> to vector<1x16xf32>
        tpu.vector_store %arg9[%swap3A_483, %swap3A_484], %swap3A_487 {strides = array<i32>} : memref<16x1024xf32, #tpu.memory_space<vmem>>, vector<1x16xf32>,
        %get3A_488 = arith.index_cast %add3A_129 : i32 to index
        %get3A_489 = arith.constant 480 : index
        %get3A_490 = tpu.vector_load %arg7[%get3A_488, %get3A_489] {strides = array<i32>} : memref<16x1024xf32, #tpu.memory_space<vmem>>, vector<1x16xf32>,
        %get3A_491 = vector.shape_cast %get3A_490 : vector<1x16xf32> to vector<16xf32>
        %mul3A_492 = arith.constant 3.200000e+01 : f32
        %mul3A_493 = vector.broadcast %mul3A_492 : f32 to vector<16xf32>
        %mul3A_494 = arith.mulf %get3A_491, %mul3A_493 : vector<16xf32>
        %swap3A_495 = arith.index_cast %add3A_129 : i32 to index
        %swap3A_496 = arith.constant 480 : index
        %swap3A_497 = tpu.vector_load %arg9[%swap3A_495, %swap3A_496] {strides = array<i32>} : memref<16x1024xf32, #tpu.memory_space<vmem>>, vector<1x16xf32>,
        %swap3A_498 = vector.shape_cast %swap3A_497 : vector<1x16xf32> to vector<16xf32>
        %swap3A_499 = vector.shape_cast %mul3A_494 : vector<16xf32> to vector<1x16xf32>
        tpu.vector_store %arg9[%swap3A_495, %swap3A_496], %swap3A_499 {strides = array<i32>} : memref<16x1024xf32, #tpu.memory_space<vmem>>, vector<1x16xf32>,
        %get3A_500 = arith.index_cast %add3A_129 : i32 to index
        %get3A_501 = arith.constant 496 : index
        %get3A_502 = tpu.vector_load %arg7[%get3A_500, %get3A_501] {strides = array<i32>} : memref<16x1024xf32, #tpu.memory_space<vmem>>, vector<1x16xf32>,
        %get3A_503 = vector.shape_cast %get3A_502 : vector<1x16xf32> to vector<16xf32>
        %mul3A_504 = arith.constant 3.200000e+01 : f32
        %mul3A_505 = vector.broadcast %mul3A_504 : f32 to vector<16xf32>
        %mul3A_506 = arith.mulf %get3A_503, %mul3A_505 : vector<16xf32>
        %swap3A_507 = arith.index_cast %add3A_129 : i32 to index
        %swap3A_508 = arith.constant 496 : index
        %swap3A_509 = tpu.vector_load %arg9[%swap3A_507, %swap3A_508] {strides = array<i32>} : memref<16x1024xf32, #tpu.memory_space<vmem>>, vector<1x16xf32>,
        %swap3A_510 = vector.shape_cast %swap3A_509 : vector<1x16xf32> to vector<16xf32>
        %swap3A_511 = vector.shape_cast %mul3A_506 : vector<16xf32> to vector<1x16xf32>
        tpu.vector_store %arg9[%swap3A_507, %swap3A_508], %swap3A_511 {strides = array<i32>} : memref<16x1024xf32, #tpu.memory_space<vmem>>, vector<1x16xf32>,
        %get3A_512 = arith.index_cast %add3A_129 : i32 to index
        %get3A_513 = arith.constant 512 : index
        %get3A_514 = tpu.vector_load %arg7[%get3A_512, %get3A_513] {strides = array<i32>} : memref<16x1024xf32, #tpu.memory_space<vmem>>, vector<1x16xf32>,
        %get3A_515 = vector.shape_cast %get3A_514 : vector<1x16xf32> to vector<16xf32>
        %mul3A_516 = arith.constant 3.200000e+01 : f32
        %mul3A_517 = vector.broadcast %mul3A_516 : f32 to vector<16xf32>
        %mul3A_518 = arith.mulf %get3A_515, %mul3A_517 : vector<16xf32>
        %swap3A_519 = arith.index_cast %add3A_129 : i32 to index
        %swap3A_520 = arith.constant 512 : index
        %swap3A_521 = tpu.vector_load %arg9[%swap3A_519, %swap3A_520] {strides = array<i32>} : memref<16x1024xf32, #tpu.memory_space<vmem>>, vector<1x16xf32>,
        %swap3A_522 = vector.shape_cast %swap3A_521 : vector<1x16xf32> to vector<16xf32>
        %swap3A_523 = vector.shape_cast %mul3A_518 : vector<16xf32> to vector<1x16xf32>
        tpu.vector_store %arg9[%swap3A_519, %swap3A_520], %swap3A_523 {strides = array<i32>} : memref<16x1024xf32, #tpu.memory_space<vmem>>, vector<1x16xf32>,
        %get3A_524 = arith.index_cast %add3A_129 : i32 to index
        %get3A_525 = arith.constant 528 : index
        %get3A_526 = tpu.vector_load %arg7[%get3A_524, %get3A_525] {strides = array<i32>} : memref<16x1024xf32, #tpu.memory_space<vmem>>, vector<1x16xf32>,
        %get3A_527 = vector.shape_cast %get3A_526 : vector<1x16xf32> to vector<16xf32>
        %mul3A_528 = arith.constant 3.200000e+01 : f32
        %mul3A_529 = vector.broadcast %mul3A_528 : f32 to vector<16xf32>
        %mul3A_530 = arith.mulf %get3A_527, %mul3A_529 : vector<16xf32>
        %swap3A_531 = arith.index_cast %add3A_129 : i32 to index
        %swap3A_532 = arith.constant 528 : index
        %swap3A_533 = tpu.vector_load %arg9[%swap3A_531, %swap3A_532] {strides = array<i32>} : memref<16x1024xf32, #tpu.memory_space<vmem>>, vector<1x16xf32>,
        %swap3A_534 = vector.shape_cast %swap3A_533 : vector<1x16xf32> to vector<16xf32>
        %swap3A_535 = vector.shape_cast %mul3A_530 : vector<16xf32> to vector<1x16xf32>
        tpu.vector_store %arg9[%swap3A_531, %swap3A_532], %swap3A_535 {strides = array<i32>} : memref<16x1024xf32, #tpu.memory_space<vmem>>, vector<1x16xf32>,
        %get3A_536 = arith.index_cast %add3A_129 : i32 to index
        %get3A_537 = arith.constant 544 : index
        %get3A_538 = tpu.vector_load %arg7[%get3A_536, %get3A_537] {strides = array<i32>} : memref<16x1024xf32, #tpu.memory_space<vmem>>, vector<1x16xf32>,
        %get3A_539 = vector.shape_cast %get3A_538 : vector<1x16xf32> to vector<16xf32>
        %mul3A_540 = arith.constant 3.200000e+01 : f32
        %mul3A_541 = vector.broadcast %mul3A_540 : f32 to vector<16xf32>
        %mul3A_542 = arith.mulf %get3A_539, %mul3A_541 : vector<16xf32>
        %swap3A_543 = arith.index_cast %add3A_129 : i32 to index
        %swap3A_544 = arith.constant 544 : index
        %swap3A_545 = tpu.vector_load %arg9[%swap3A_543, %swap3A_544] {strides = array<i32>} : memref<16x1024xf32, #tpu.memory_space<vmem>>, vector<1x16xf32>,
        %swap3A_546 = vector.shape_cast %swap3A_545 : vector<1x16xf32> to vector<16xf32>
        %swap3A_547 = vector.shape_cast %mul3A_542 : vector<16xf32> to vector<1x16xf32>
        tpu.vector_store %arg9[%swap3A_543, %swap3A_544], %swap3A_547 {strides = array<i32>} : memref<16x1024xf32, #tpu.memory_space<vmem>>, vector<1x16xf32>,
        %get3A_548 = arith.index_cast %add3A_129 : i32 to index
        %get3A_549 = arith.constant 560 : index
        %get3A_550 = tpu.vector_load %arg7[%get3A_548, %get3A_549] {strides = array<i32>} : memref<16x1024xf32, #tpu.memory_space<vmem>>, vector<1x16xf32>,
        %get3A_551 = vector.shape_cast %get3A_550 : vector<1x16xf32> to vector<16xf32>
        %mul3A_552 = arith.constant 3.200000e+01 : f32
        %mul3A_553 = vector.broadcast %mul3A_552 : f32 to vector<16xf32>
        %mul3A_554 = arith.mulf %get3A_551, %mul3A_553 : vector<16xf32>
        %swap3A_555 = arith.index_cast %add3A_129 : i32 to index
        %swap3A_556 = arith.constant 560 : index
        %swap3A_557 = tpu.vector_load %arg9[%swap3A_555, %swap3A_556] {strides = array<i32>} : memref<16x1024xf32, #tpu.memory_space<vmem>>, vector<1x16xf32>,
        %swap3A_558 = vector.shape_cast %swap3A_557 : vector<1x16xf32> to vector<16xf32>
        %swap3A_559 = vector.shape_cast %mul3A_554 : vector<16xf32> to vector<1x16xf32>
        tpu.vector_store %arg9[%swap3A_555, %swap3A_556], %swap3A_559 {strides = array<i32>} : memref<16x1024xf32, #tpu.memory_space<vmem>>, vector<1x16xf32>,
        %get3A_560 = arith.index_cast %add3A_129 : i32 to index
        %get3A_561 = arith.constant 576 : index
        %get3A_562 = tpu.vector_load %arg7[%get3A_560, %get3A_561] {strides = array<i32>} : memref<16x1024xf32, #tpu.memory_space<vmem>>, vector<1x16xf32>,
        %get3A_563 = vector.shape_cast %get3A_562 : vector<1x16xf32> to vector<16xf32>
        %mul3A_564 = arith.constant 3.200000e+01 : f32
        %mul3A_565 = vector.broadcast %mul3A_564 : f32 to vector<16xf32>
        %mul3A_566 = arith.mulf %get3A_563, %mul3A_565 : vector<16xf32>
        %swap3A_567 = arith.index_cast %add3A_129 : i32 to index
        %swap3A_568 = arith.constant 576 : index
        %swap3A_569 = tpu.vector_load %arg9[%swap3A_567, %swap3A_568] {strides = array<i32>} : memref<16x1024xf32, #tpu.memory_space<vmem>>, vector<1x16xf32>,
        %swap3A_570 = vector.shape_cast %swap3A_569 : vector<1x16xf32> to vector<16xf32>
        %swap3A_571 = vector.shape_cast %mul3A_566 : vector<16xf32> to vector<1x16xf32>
        tpu.vector_store %arg9[%swap3A_567, %swap3A_568], %swap3A_571 {strides = array<i32>} : memref<16x1024xf32, #tpu.memory_space<vmem>>, vector<1x16xf32>,
        %get3A_572 = arith.index_cast %add3A_129 : i32 to index
        %get3A_573 = arith.constant 592 : index
        %get3A_574 = tpu.vector_load %arg7[%get3A_572, %get3A_573] {strides = array<i32>} : memref<16x1024xf32, #tpu.memory_space<vmem>>, vector<1x16xf32>,
        %get3A_575 = vector.shape_cast %get3A_574 : vector<1x16xf32> to vector<16xf32>
        %mul3A_576 = arith.constant 3.200000e+01 : f32
        %mul3A_577 = vector.broadcast %mul3A_576 : f32 to vector<16xf32>
        %mul3A_578 = arith.mulf %get3A_575, %mul3A_577 : vector<16xf32>
        %swap3A_579 = arith.index_cast %add3A_129 : i32 to index
        %swap3A_580 = arith.constant 592 : index
        %swap3A_581 = tpu.vector_load %arg9[%swap3A_579, %swap3A_580] {strides = array<i32>} : memref<16x1024xf32, #tpu.memory_space<vmem>>, vector<1x16xf32>,
        %swap3A_582 = vector.shape_cast %swap3A_581 : vector<1x16xf32> to vector<16xf32>
        %swap3A_583 = vector.shape_cast %mul3A_578 : vector<16xf32> to vector<1x16xf32>
        tpu.vector_store %arg9[%swap3A_579, %swap3A_580], %swap3A_583 {strides = array<i32>} : memref<16x1024xf32, #tpu.memory_space<vmem>>, vector<1x16xf32>,
        %get3A_584 = arith.index_cast %add3A_129 : i32 to index
        %get3A_585 = arith.constant 608 : index
        %get3A_586 = tpu.vector_load %arg7[%get3A_584, %get3A_585] {strides = array<i32>} : memref<16x1024xf32, #tpu.memory_space<vmem>>, vector<1x16xf32>,
        %get3A_587 = vector.shape_cast %get3A_586 : vector<1x16xf32> to vector<16xf32>
        %mul3A_588 = arith.constant 3.200000e+01 : f32
        %mul3A_589 = vector.broadcast %mul3A_588 : f32 to vector<16xf32>
        %mul3A_590 = arith.mulf %get3A_587, %mul3A_589 : vector<16xf32>
        %swap3A_591 = arith.index_cast %add3A_129 : i32 to index
        %swap3A_592 = arith.constant 608 : index
        %swap3A_593 = tpu.vector_load %arg9[%swap3A_591, %swap3A_592] {strides = array<i32>} : memref<16x1024xf32, #tpu.memory_space<vmem>>, vector<1x16xf32>,
        %swap3A_594 = vector.shape_cast %swap3A_593 : vector<1x16xf32> to vector<16xf32>
        %swap3A_595 = vector.shape_cast %mul3A_590 : vector<16xf32> to vector<1x16xf32>
        tpu.vector_store %arg9[%swap3A_591, %swap3A_592], %swap3A_595 {strides = array<i32>} : memref<16x1024xf32, #tpu.memory_space<vmem>>, vector<1x16xf32>,
        %get3A_596 = arith.index_cast %add3A_129 : i32 to index
        %get3A_597 = arith.constant 624 : index
        %get3A_598 = tpu.vector_load %arg7[%get3A_596, %get3A_597] {strides = array<i32>} : memref<16x1024xf32, #tpu.memory_space<vmem>>, vector<1x16xf32>,
        %get3A_599 = vector.shape_cast %get3A_598 : vector<1x16xf32> to vector<16xf32>
        %mul3A_600 = arith.constant 3.200000e+01 : f32
        %mul3A_601 = vector.broadcast %mul3A_600 : f32 to vector<16xf32>
        %mul3A_602 = arith.mulf %get3A_599, %mul3A_601 : vector<16xf32>
        %swap3A_603 = arith.index_cast %add3A_129 : i32 to index
        %swap3A_604 = arith.constant 624 : index
        %swap3A_605 = tpu.vector_load %arg9[%swap3A_603, %swap3A_604] {strides = array<i32>} : memref<16x1024xf32, #tpu.memory_space<vmem>>, vector<1x16xf32>,
        %swap3A_606 = vector.shape_cast %swap3A_605 : vector<1x16xf32> to vector<16xf32>
        %swap3A_607 = vector.shape_cast %mul3A_602 : vector<16xf32> to vector<1x16xf32>
        tpu.vector_store %arg9[%swap3A_603, %swap3A_604], %swap3A_607 {strides = array<i32>} : memref<16x1024xf32, #tpu.memory_space<vmem>>, vector<1x16xf32>,
        %get3A_608 = arith.index_cast %add3A_129 : i32 to index
        %get3A_609 = arith.constant 640 : index
        %get3A_610 = tpu.vector_load %arg7[%get3A_608, %get3A_609] {strides = array<i32>} : memref<16x1024xf32, #tpu.memory_space<vmem>>, vector<1x16xf32>,
        %get3A_611 = vector.shape_cast %get3A_610 : vector<1x16xf32> to vector<16xf32>
        %mul3A_612 = arith.constant 3.200000e+01 : f32
        %mul3A_613 = vector.broadcast %mul3A_612 : f32 to vector<16xf32>
        %mul3A_614 = arith.mulf %get3A_611, %mul3A_613 : vector<16xf32>
        %swap3A_615 = arith.index_cast %add3A_129 : i32 to index
        %swap3A_616 = arith.constant 640 : index
        %swap3A_617 = tpu.vector_load %arg9[%swap3A_615, %swap3A_616] {strides = array<i32>} : memref<16x1024xf32, #tpu.memory_space<vmem>>, vector<1x16xf32>,
        %swap3A_618 = vector.shape_cast %swap3A_617 : vector<1x16xf32> to vector<16xf32>
        %swap3A_619 = vector.shape_cast %mul3A_614 : vector<16xf32> to vector<1x16xf32>
        tpu.vector_store %arg9[%swap3A_615, %swap3A_616], %swap3A_619 {strides = array<i32>} : memref<16x1024xf32, #tpu.memory_space<vmem>>, vector<1x16xf32>,
        %get3A_620 = arith.index_cast %add3A_129 : i32 to index
        %get3A_621 = arith.constant 656 : index
        %get3A_622 = tpu.vector_load %arg7[%get3A_620, %get3A_621] {strides = array<i32>} : memref<16x1024xf32, #tpu.memory_space<vmem>>, vector<1x16xf32>,
        %get3A_623 = vector.shape_cast %get3A_622 : vector<1x16xf32> to vector<16xf32>
        %mul3A_624 = arith.constant 3.200000e+01 : f32
        %mul3A_625 = vector.broadcast %mul3A_624 : f32 to vector<16xf32>
        %mul3A_626 = arith.mulf %get3A_623, %mul3A_625 : vector<16xf32>
        %swap3A_627 = arith.index_cast %add3A_129 : i32 to index
        %swap3A_628 = arith.constant 656 : index
        %swap3A_629 = tpu.vector_load %arg9[%swap3A_627, %swap3A_628] {strides = array<i32>} : memref<16x1024xf32, #tpu.memory_space<vmem>>, vector<1x16xf32>,
        %swap3A_630 = vector.shape_cast %swap3A_629 : vector<1x16xf32> to vector<16xf32>
        %swap3A_631 = vector.shape_cast %mul3A_626 : vector<16xf32> to vector<1x16xf32>
        tpu.vector_store %arg9[%swap3A_627, %swap3A_628], %swap3A_631 {strides = array<i32>} : memref<16x1024xf32, #tpu.memory_space<vmem>>, vector<1x16xf32>,
        %get3A_632 = arith.index_cast %add3A_129 : i32 to index
        %get3A_633 = arith.constant 672 : index
        %get3A_634 = tpu.vector_load %arg7[%get3A_632, %get3A_633] {strides = array<i32>} : memref<16x1024xf32, #tpu.memory_space<vmem>>, vector<1x16xf32>,
        %get3A_635 = vector.shape_cast %get3A_634 : vector<1x16xf32> to vector<16xf32>
        %mul3A_636 = arith.constant 3.200000e+01 : f32
        %mul3A_637 = vector.broadcast %mul3A_636 : f32 to vector<16xf32>
        %mul3A_638 = arith.mulf %get3A_635, %mul3A_637 : vector<16xf32>
        %swap3A_639 = arith.index_cast %add3A_129 : i32 to index
        %swap3A_640 = arith.constant 672 : index
        %swap3A_641 = tpu.vector_load %arg9[%swap3A_639, %swap3A_640] {strides = array<i32>} : memref<16x1024xf32, #tpu.memory_space<vmem>>, vector<1x16xf32>,
        %swap3A_642 = vector.shape_cast %swap3A_641 : vector<1x16xf32> to vector<16xf32>
        %swap3A_643 = vector.shape_cast %mul3A_638 : vector<16xf32> to vector<1x16xf32>
        tpu.vector_store %arg9[%swap3A_639, %swap3A_640], %swap3A_643 {strides = array<i32>} : memref<16x1024xf32, #tpu.memory_space<vmem>>, vector<1x16xf32>,
        %get3A_644 = arith.index_cast %add3A_129 : i32 to index
        %get3A_645 = arith.constant 688 : index
        %get3A_646 = tpu.vector_load %arg7[%get3A_644, %get3A_645] {strides = array<i32>} : memref<16x1024xf32, #tpu.memory_space<vmem>>, vector<1x16xf32>,
        %get3A_647 = vector.shape_cast %get3A_646 : vector<1x16xf32> to vector<16xf32>
        %mul3A_648 = arith.constant 3.200000e+01 : f32
        %mul3A_649 = vector.broadcast %mul3A_648 : f32 to vector<16xf32>
        %mul3A_650 = arith.mulf %get3A_647, %mul3A_649 : vector<16xf32>
        %swap3A_651 = arith.index_cast %add3A_129 : i32 to index
        %swap3A_652 = arith.constant 688 : index
        %swap3A_653 = tpu.vector_load %arg9[%swap3A_651, %swap3A_652] {strides = array<i32>} : memref<16x1024xf32, #tpu.memory_space<vmem>>, vector<1x16xf32>,
        %swap3A_654 = vector.shape_cast %swap3A_653 : vector<1x16xf32> to vector<16xf32>
        %swap3A_655 = vector.shape_cast %mul3A_650 : vector<16xf32> to vector<1x16xf32>
        tpu.vector_store %arg9[%swap3A_651, %swap3A_652], %swap3A_655 {strides = array<i32>} : memref<16x1024xf32, #tpu.memory_space<vmem>>, vector<1x16xf32>,
        %get3A_656 = arith.index_cast %add3A_129 : i32 to index
        %get3A_657 = arith.constant 704 : index
        %get3A_658 = tpu.vector_load %arg7[%get3A_656, %get3A_657] {strides = array<i32>} : memref<16x1024xf32, #tpu.memory_space<vmem>>, vector<1x16xf32>,
        %get3A_659 = vector.shape_cast %get3A_658 : vector<1x16xf32> to vector<16xf32>
        %mul3A_660 = arith.constant 3.200000e+01 : f32
        %mul3A_661 = vector.broadcast %mul3A_660 : f32 to vector<16xf32>
        %mul3A_662 = arith.mulf %get3A_659, %mul3A_661 : vector<16xf32>
        %swap3A_663 = arith.index_cast %add3A_129 : i32 to index
        %swap3A_664 = arith.constant 704 : index
        %swap3A_665 = tpu.vector_load %arg9[%swap3A_663, %swap3A_664] {strides = array<i32>} : memref<16x1024xf32, #tpu.memory_space<vmem>>, vector<1x16xf32>,
        %swap3A_666 = vector.shape_cast %swap3A_665 : vector<1x16xf32> to vector<16xf32>
        %swap3A_667 = vector.shape_cast %mul3A_662 : vector<16xf32> to vector<1x16xf32>
        tpu.vector_store %arg9[%swap3A_663, %swap3A_664], %swap3A_667 {strides = array<i32>} : memref<16x1024xf32, #tpu.memory_space<vmem>>, vector<1x16xf32>,
        %get3A_668 = arith.index_cast %add3A_129 : i32 to index
        %get3A_669 = arith.constant 720 : index
        %get3A_670 = tpu.vector_load %arg7[%get3A_668, %get3A_669] {strides = array<i32>} : memref<16x1024xf32, #tpu.memory_space<vmem>>, vector<1x16xf32>,
        %get3A_671 = vector.shape_cast %get3A_670 : vector<1x16xf32> to vector<16xf32>
        %mul3A_672 = arith.constant 3.200000e+01 : f32
        %mul3A_673 = vector.broadcast %mul3A_672 : f32 to vector<16xf32>
        %mul3A_674 = arith.mulf %get3A_671, %mul3A_673 : vector<16xf32>
        %swap3A_675 = arith.index_cast %add3A_129 : i32 to index
        %swap3A_676 = arith.constant 720 : index
        %swap3A_677 = tpu.vector_load %arg9[%swap3A_675, %swap3A_676] {strides = array<i32>} : memref<16x1024xf32, #tpu.memory_space<vmem>>, vector<1x16xf32>,
        %swap3A_678 = vector.shape_cast %swap3A_677 : vector<1x16xf32> to vector<16xf32>
        %swap3A_679 = vector.shape_cast %mul3A_674 : vector<16xf32> to vector<1x16xf32>
        tpu.vector_store %arg9[%swap3A_675, %swap3A_676], %swap3A_679 {strides = array<i32>} : memref<16x1024xf32, #tpu.memory_space<vmem>>, vector<1x16xf32>,
        %get3A_680 = arith.index_cast %add3A_129 : i32 to index
        %get3A_681 = arith.constant 736 : index
        %get3A_682 = tpu.vector_load %arg7[%get3A_680, %get3A_681] {strides = array<i32>} : memref<16x1024xf32, #tpu.memory_space<vmem>>, vector<1x16xf32>,
        %get3A_683 = vector.shape_cast %get3A_682 : vector<1x16xf32> to vector<16xf32>
        %mul3A_684 = arith.constant 3.200000e+01 : f32
        %mul3A_685 = vector.broadcast %mul3A_684 : f32 to vector<16xf32>
        %mul3A_686 = arith.mulf %get3A_683, %mul3A_685 : vector<16xf32>
        %swap3A_687 = arith.index_cast %add3A_129 : i32 to index
        %swap3A_688 = arith.constant 736 : index
        %swap3A_689 = tpu.vector_load %arg9[%swap3A_687, %swap3A_688] {strides = array<i32>} : memref<16x1024xf32, #tpu.memory_space<vmem>>, vector<1x16xf32>,
        %swap3A_690 = vector.shape_cast %swap3A_689 : vector<1x16xf32> to vector<16xf32>
        %swap3A_691 = vector.shape_cast %mul3A_686 : vector<16xf32> to vector<1x16xf32>
        tpu.vector_store %arg9[%swap3A_687, %swap3A_688], %swap3A_691 {strides = array<i32>} : memref<16x1024xf32, #tpu.memory_space<vmem>>, vector<1x16xf32>,
        %get3A_692 = arith.index_cast %add3A_129 : i32 to index
        %get3A_693 = arith.constant 752 : index
        %get3A_694 = tpu.vector_load %arg7[%get3A_692, %get3A_693] {strides = array<i32>} : memref<16x1024xf32, #tpu.memory_space<vmem>>, vector<1x16xf32>,
        %get3A_695 = vector.shape_cast %get3A_694 : vector<1x16xf32> to vector<16xf32>
        %mul3A_696 = arith.constant 3.200000e+01 : f32
        %mul3A_697 = vector.broadcast %mul3A_696 : f32 to vector<16xf32>
        %mul3A_698 = arith.mulf %get3A_695, %mul3A_697 : vector<16xf32>
        %swap3A_699 = arith.index_cast %add3A_129 : i32 to index
        %swap3A_700 = arith.constant 752 : index
        %swap3A_701 = tpu.vector_load %arg9[%swap3A_699, %swap3A_700] {strides = array<i32>} : memref<16x1024xf32, #tpu.memory_space<vmem>>, vector<1x16xf32>,
        %swap3A_702 = vector.shape_cast %swap3A_701 : vector<1x16xf32> to vector<16xf32>
        %swap3A_703 = vector.shape_cast %mul3A_698 : vector<16xf32> to vector<1x16xf32>
        tpu.vector_store %arg9[%swap3A_699, %swap3A_700], %swap3A_703 {strides = array<i32>} : memref<16x1024xf32, #tpu.memory_space<vmem>>, vector<1x16xf32>,
        %get3A_704 = arith.index_cast %add3A_129 : i32 to index
        %get3A_705 = arith.constant 768 : index
        %get3A_706 = tpu.vector_load %arg7[%get3A_704, %get3A_705] {strides = array<i32>} : memref<16x1024xf32, #tpu.memory_space<vmem>>, vector<1x16xf32>,
        %get3A_707 = vector.shape_cast %get3A_706 : vector<1x16xf32> to vector<16xf32>
        %mul3A_708 = arith.constant 3.200000e+01 : f32
        %mul3A_709 = vector.broadcast %mul3A_708 : f32 to vector<16xf32>
        %mul3A_710 = arith.mulf %get3A_707, %mul3A_709 : vector<16xf32>
        %swap3A_711 = arith.index_cast %add3A_129 : i32 to index
        %swap3A_712 = arith.constant 768 : index
        %swap3A_713 = tpu.vector_load %arg9[%swap3A_711, %swap3A_712] {strides = array<i32>} : memref<16x1024xf32, #tpu.memory_space<vmem>>, vector<1x16xf32>,
        %swap3A_714 = vector.shape_cast %swap3A_713 : vector<1x16xf32> to vector<16xf32>
        %swap3A_715 = vector.shape_cast %mul3A_710 : vector<16xf32> to vector<1x16xf32>
        tpu.vector_store %arg9[%swap3A_711, %swap3A_712], %swap3A_715 {strides = array<i32>} : memref<16x1024xf32, #tpu.memory_space<vmem>>, vector<1x16xf32>,
        %get3A_716 = arith.index_cast %add3A_129 : i32 to index
        %get3A_717 = arith.constant 784 : index
        %get3A_718 = tpu.vector_load %arg7[%get3A_716, %get3A_717] {strides = array<i32>} : memref<16x1024xf32, #tpu.memory_space<vmem>>, vector<1x16xf32>,
        %get3A_719 = vector.shape_cast %get3A_718 : vector<1x16xf32> to vector<16xf32>
        %mul3A_720 = arith.constant 3.200000e+01 : f32
        %mul3A_721 = vector.broadcast %mul3A_720 : f32 to vector<16xf32>
        %mul3A_722 = arith.mulf %get3A_719, %mul3A_721 : vector<16xf32>
        %swap3A_723 = arith.index_cast %add3A_129 : i32 to index
        %swap3A_724 = arith.constant 784 : index
        %swap3A_725 = tpu.vector_load %arg9[%swap3A_723, %swap3A_724] {strides = array<i32>} : memref<16x1024xf32, #tpu.memory_space<vmem>>, vector<1x16xf32>,
        %swap3A_726 = vector.shape_cast %swap3A_725 : vector<1x16xf32> to vector<16xf32>
        %swap3A_727 = vector.shape_cast %mul3A_722 : vector<16xf32> to vector<1x16xf32>
        tpu.vector_store %arg9[%swap3A_723, %swap3A_724], %swap3A_727 {strides = array<i32>} : memref<16x1024xf32, #tpu.memory_space<vmem>>, vector<1x16xf32>,
        %get3A_728 = arith.index_cast %add3A_129 : i32 to index
        %get3A_729 = arith.constant 800 : index
        %get3A_730 = tpu.vector_load %arg7[%get3A_728, %get3A_729] {strides = array<i32>} : memref<16x1024xf32, #tpu.memory_space<vmem>>, vector<1x16xf32>,
        %get3A_731 = vector.shape_cast %get3A_730 : vector<1x16xf32> to vector<16xf32>
        %mul3A_732 = arith.constant 3.200000e+01 : f32
        %mul3A_733 = vector.broadcast %mul3A_732 : f32 to vector<16xf32>
        %mul3A_734 = arith.mulf %get3A_731, %mul3A_733 : vector<16xf32>
        %swap3A_735 = arith.index_cast %add3A_129 : i32 to index
        %swap3A_736 = arith.constant 800 : index
        %swap3A_737 = tpu.vector_load %arg9[%swap3A_735, %swap3A_736] {strides = array<i32>} : memref<16x1024xf32, #tpu.memory_space<vmem>>, vector<1x16xf32>,
        %swap3A_738 = vector.shape_cast %swap3A_737 : vector<1x16xf32> to vector<16xf32>
        %swap3A_739 = vector.shape_cast %mul3A_734 : vector<16xf32> to vector<1x16xf32>
        tpu.vector_store %arg9[%swap3A_735, %swap3A_736], %swap3A_739 {strides = array<i32>} : memref<16x1024xf32, #tpu.memory_space<vmem>>, vector<1x16xf32>,
        %get3A_740 = arith.index_cast %add3A_129 : i32 to index
        %get3A_741 = arith.constant 816 : index
        %get3A_742 = tpu.vector_load %arg7[%get3A_740, %get3A_741] {strides = array<i32>} : memref<16x1024xf32, #tpu.memory_space<vmem>>, vector<1x16xf32>,
        %get3A_743 = vector.shape_cast %get3A_742 : vector<1x16xf32> to vector<16xf32>
        %mul3A_744 = arith.constant 3.200000e+01 : f32
        %mul3A_745 = vector.broadcast %mul3A_744 : f32 to vector<16xf32>
        %mul3A_746 = arith.mulf %get3A_743, %mul3A_745 : vector<16xf32>
        %swap3A_747 = arith.index_cast %add3A_129 : i32 to index
        %swap3A_748 = arith.constant 816 : index
        %swap3A_749 = tpu.vector_load %arg9[%swap3A_747, %swap3A_748] {strides = array<i32>} : memref<16x1024xf32, #tpu.memory_space<vmem>>, vector<1x16xf32>,
        %swap3A_750 = vector.shape_cast %swap3A_749 : vector<1x16xf32> to vector<16xf32>
        %swap3A_751 = vector.shape_cast %mul3A_746 : vector<16xf32> to vector<1x16xf32>
        tpu.vector_store %arg9[%swap3A_747, %swap3A_748], %swap3A_751 {strides = array<i32>} : memref<16x1024xf32, #tpu.memory_space<vmem>>, vector<1x16xf32>,
        %get3A_752 = arith.index_cast %add3A_129 : i32 to index
        %get3A_753 = arith.constant 832 : index
        %get3A_754 = tpu.vector_load %arg7[%get3A_752, %get3A_753] {strides = array<i32>} : memref<16x1024xf32, #tpu.memory_space<vmem>>, vector<1x16xf32>,
        %get3A_755 = vector.shape_cast %get3A_754 : vector<1x16xf32> to vector<16xf32>
        %mul3A_756 = arith.constant 3.200000e+01 : f32
        %mul3A_757 = vector.broadcast %mul3A_756 : f32 to vector<16xf32>
        %mul3A_758 = arith.mulf %get3A_755, %mul3A_757 : vector<16xf32>
        %swap3A_759 = arith.index_cast %add3A_129 : i32 to index
        %swap3A_760 = arith.constant 832 : index
        %swap3A_761 = tpu.vector_load %arg9[%swap3A_759, %swap3A_760] {strides = array<i32>} : memref<16x1024xf32, #tpu.memory_space<vmem>>, vector<1x16xf32>,
        %swap3A_762 = vector.shape_cast %swap3A_761 : vector<1x16xf32> to vector<16xf32>
        %swap3A_763 = vector.shape_cast %mul3A_758 : vector<16xf32> to vector<1x16xf32>
        tpu.vector_store %arg9[%swap3A_759, %swap3A_760], %swap3A_763 {strides = array<i32>} : memref<16x1024xf32, #tpu.memory_space<vmem>>, vector<1x16xf32>,
        %get3A_764 = arith.index_cast %add3A_129 : i32 to index
        %get3A_765 = arith.constant 848 : index
        %get3A_766 = tpu.vector_load %arg7[%get3A_764, %get3A_765] {strides = array<i32>} : memref<16x1024xf32, #tpu.memory_space<vmem>>, vector<1x16xf32>,
        %get3A_767 = vector.shape_cast %get3A_766 : vector<1x16xf32> to vector<16xf32>
        %mul3A_768 = arith.constant 3.200000e+01 : f32
        %mul3A_769 = vector.broadcast %mul3A_768 : f32 to vector<16xf32>
        %mul3A_770 = arith.mulf %get3A_767, %mul3A_769 : vector<16xf32>
        %swap3A_771 = arith.index_cast %add3A_129 : i32 to index
        %swap3A_772 = arith.constant 848 : index
        %swap3A_773 = tpu.vector_load %arg9[%swap3A_771, %swap3A_772] {strides = array<i32>} : memref<16x1024xf32, #tpu.memory_space<vmem>>, vector<1x16xf32>,
        %swap3A_774 = vector.shape_cast %swap3A_773 : vector<1x16xf32> to vector<16xf32>
        %swap3A_775 = vector.shape_cast %mul3A_770 : vector<16xf32> to vector<1x16xf32>
        tpu.vector_store %arg9[%swap3A_771, %swap3A_772], %swap3A_775 {strides = array<i32>} : memref<16x1024xf32, #tpu.memory_space<vmem>>, vector<1x16xf32>,
        %get3A_776 = arith.index_cast %add3A_129 : i32 to index
        %get3A_777 = arith.constant 864 : index
        %get3A_778 = tpu.vector_load %arg7[%get3A_776, %get3A_777] {strides = array<i32>} : memref<16x1024xf32, #tpu.memory_space<vmem>>, vector<1x16xf32>,
        %get3A_779 = vector.shape_cast %get3A_778 : vector<1x16xf32> to vector<16xf32>
        %mul3A_780 = arith.constant 3.200000e+01 : f32
        %mul3A_781 = vector.broadcast %mul3A_780 : f32 to vector<16xf32>
        %mul3A_782 = arith.mulf %get3A_779, %mul3A_781 : vector<16xf32>
        %swap3A_783 = arith.index_cast %add3A_129 : i32 to index
        %swap3A_784 = arith.constant 864 : index
        %swap3A_785 = tpu.vector_load %arg9[%swap3A_783, %swap3A_784] {strides = array<i32>} : memref<16x1024xf32, #tpu.memory_space<vmem>>, vector<1x16xf32>,
        %swap3A_786 = vector.shape_cast %swap3A_785 : vector<1x16xf32> to vector<16xf32>
        %swap3A_787 = vector.shape_cast %mul3A_782 : vector<16xf32> to vector<1x16xf32>
        tpu.vector_store %arg9[%swap3A_783, %swap3A_784], %swap3A_787 {strides = array<i32>} : memref<16x1024xf32, #tpu.memory_space<vmem>>, vector<1x16xf32>,
        %get3A_788 = arith.index_cast %add3A_129 : i32 to index
        %get3A_789 = arith.constant 880 : index
        %get3A_790 = tpu.vector_load %arg7[%get3A_788, %get3A_789] {strides = array<i32>} : memref<16x1024xf32, #tpu.memory_space<vmem>>, vector<1x16xf32>,
        %get3A_791 = vector.shape_cast %get3A_790 : vector<1x16xf32> to vector<16xf32>
        %mul3A_792 = arith.constant 3.200000e+01 : f32
        %mul3A_793 = vector.broadcast %mul3A_792 : f32 to vector<16xf32>
        %mul3A_794 = arith.mulf %get3A_791, %mul3A_793 : vector<16xf32>
        %swap3A_795 = arith.index_cast %add3A_129 : i32 to index
        %swap3A_796 = arith.constant 880 : index
        %swap3A_797 = tpu.vector_load %arg9[%swap3A_795, %swap3A_796] {strides = array<i32>} : memref<16x1024xf32, #tpu.memory_space<vmem>>, vector<1x16xf32>,
        %swap3A_798 = vector.shape_cast %swap3A_797 : vector<1x16xf32> to vector<16xf32>
        %swap3A_799 = vector.shape_cast %mul3A_794 : vector<16xf32> to vector<1x16xf32>
        tpu.vector_store %arg9[%swap3A_795, %swap3A_796], %swap3A_799 {strides = array<i32>} : memref<16x1024xf32, #tpu.memory_space<vmem>>, vector<1x16xf32>,
        %get3A_800 = arith.index_cast %add3A_129 : i32 to index
        %get3A_801 = arith.constant 896 : index
        %get3A_802 = tpu.vector_load %arg7[%get3A_800, %get3A_801] {strides = array<i32>} : memref<16x1024xf32, #tpu.memory_space<vmem>>, vector<1x16xf32>,
        %get3A_803 = vector.shape_cast %get3A_802 : vector<1x16xf32> to vector<16xf32>
        %mul3A_804 = arith.constant 3.200000e+01 : f32
        %mul3A_805 = vector.broadcast %mul3A_804 : f32 to vector<16xf32>
        %mul3A_806 = arith.mulf %get3A_803, %mul3A_805 : vector<16xf32>
        %swap3A_807 = arith.index_cast %add3A_129 : i32 to index
        %swap3A_808 = arith.constant 896 : index
        %swap3A_809 = tpu.vector_load %arg9[%swap3A_807, %swap3A_808] {strides = array<i32>} : memref<16x1024xf32, #tpu.memory_space<vmem>>, vector<1x16xf32>,
        %swap3A_810 = vector.shape_cast %swap3A_809 : vector<1x16xf32> to vector<16xf32>
        %swap3A_811 = vector.shape_cast %mul3A_806 : vector<16xf32> to vector<1x16xf32>
        tpu.vector_store %arg9[%swap3A_807, %swap3A_808], %swap3A_811 {strides = array<i32>} : memref<16x1024xf32, #tpu.memory_space<vmem>>, vector<1x16xf32>,
        %get3A_812 = arith.index_cast %add3A_129 : i32 to index
        %get3A_813 = arith.constant 912 : index
        %get3A_814 = tpu.vector_load %arg7[%get3A_812, %get3A_813] {strides = array<i32>} : memref<16x1024xf32, #tpu.memory_space<vmem>>, vector<1x16xf32>,
        %get3A_815 = vector.shape_cast %get3A_814 : vector<1x16xf32> to vector<16xf32>
        %mul3A_816 = arith.constant 3.200000e+01 : f32
        %mul3A_817 = vector.broadcast %mul3A_816 : f32 to vector<16xf32>
        %mul3A_818 = arith.mulf %get3A_815, %mul3A_817 : vector<16xf32>
        %swap3A_819 = arith.index_cast %add3A_129 : i32 to index
        %swap3A_820 = arith.constant 912 : index
        %swap3A_821 = tpu.vector_load %arg9[%swap3A_819, %swap3A_820] {strides = array<i32>} : memref<16x1024xf32, #tpu.memory_space<vmem>>, vector<1x16xf32>,
        %swap3A_822 = vector.shape_cast %swap3A_821 : vector<1x16xf32> to vector<16xf32>
        %swap3A_823 = vector.shape_cast %mul3A_818 : vector<16xf32> to vector<1x16xf32>
        tpu.vector_store %arg9[%swap3A_819, %swap3A_820], %swap3A_823 {strides = array<i32>} : memref<16x1024xf32, #tpu.memory_space<vmem>>, vector<1x16xf32>,
        %get3A_824 = arith.index_cast %add3A_129 : i32 to index
        %get3A_825 = arith.constant 928 : index
        %get3A_826 = tpu.vector_load %arg7[%get3A_824, %get3A_825] {strides = array<i32>} : memref<16x1024xf32, #tpu.memory_space<vmem>>, vector<1x16xf32>,
        %get3A_827 = vector.shape_cast %get3A_826 : vector<1x16xf32> to vector<16xf32>
        %mul3A_828 = arith.constant 3.200000e+01 : f32
        %mul3A_829 = vector.broadcast %mul3A_828 : f32 to vector<16xf32>
        %mul3A_830 = arith.mulf %get3A_827, %mul3A_829 : vector<16xf32>
        %swap3A_831 = arith.index_cast %add3A_129 : i32 to index
        %swap3A_832 = arith.constant 928 : index
        %swap3A_833 = tpu.vector_load %arg9[%swap3A_831, %swap3A_832] {strides = array<i32>} : memref<16x1024xf32, #tpu.memory_space<vmem>>, vector<1x16xf32>,
        %swap3A_834 = vector.shape_cast %swap3A_833 : vector<1x16xf32> to vector<16xf32>
        %swap3A_835 = vector.shape_cast %mul3A_830 : vector<16xf32> to vector<1x16xf32>
        tpu.vector_store %arg9[%swap3A_831, %swap3A_832], %swap3A_835 {strides = array<i32>} : memref<16x1024xf32, #tpu.memory_space<vmem>>, vector<1x16xf32>,
        %get3A_836 = arith.index_cast %add3A_129 : i32 to index
        %get3A_837 = arith.constant 944 : index
        %get3A_838 = tpu.vector_load %arg7[%get3A_836, %get3A_837] {strides = array<i32>} : memref<16x1024xf32, #tpu.memory_space<vmem>>, vector<1x16xf32>,
        %get3A_839 = vector.shape_cast %get3A_838 : vector<1x16xf32> to vector<16xf32>
        %mul3A_840 = arith.constant 3.200000e+01 : f32
        %mul3A_841 = vector.broadcast %mul3A_840 : f32 to vector<16xf32>
        %mul3A_842 = arith.mulf %get3A_839, %mul3A_841 : vector<16xf32>
        %swap3A_843 = arith.index_cast %add3A_129 : i32 to index
        %swap3A_844 = arith.constant 944 : index
        %swap3A_845 = tpu.vector_load %arg9[%swap3A_843, %swap3A_844] {strides = array<i32>} : memref<16x1024xf32, #tpu.memory_space<vmem>>, vector<1x16xf32>,
        %swap3A_846 = vector.shape_cast %swap3A_845 : vector<1x16xf32> to vector<16xf32>
        %swap3A_847 = vector.shape_cast %mul3A_842 : vector<16xf32> to vector<1x16xf32>
        tpu.vector_store %arg9[%swap3A_843, %swap3A_844], %swap3A_847 {strides = array<i32>} : memref<16x1024xf32, #tpu.memory_space<vmem>>, vector<1x16xf32>,
        %get3A_848 = arith.index_cast %add3A_129 : i32 to index
        %get3A_849 = arith.constant 960 : index
        %get3A_850 = tpu.vector_load %arg7[%get3A_848, %get3A_849] {strides = array<i32>} : memref<16x1024xf32, #tpu.memory_space<vmem>>, vector<1x16xf32>,
        %get3A_851 = vector.shape_cast %get3A_850 : vector<1x16xf32> to vector<16xf32>
        %mul3A_852 = arith.constant 3.200000e+01 : f32
        %mul3A_853 = vector.broadcast %mul3A_852 : f32 to vector<16xf32>
        %mul3A_854 = arith.mulf %get3A_851, %mul3A_853 : vector<16xf32>
        %swap3A_855 = arith.index_cast %add3A_129 : i32 to index
        %swap3A_856 = arith.constant 960 : index
        %swap3A_857 = tpu.vector_load %arg9[%swap3A_855, %swap3A_856] {strides = array<i32>} : memref<16x1024xf32, #tpu.memory_space<vmem>>, vector<1x16xf32>,
        %swap3A_858 = vector.shape_cast %swap3A_857 : vector<1x16xf32> to vector<16xf32>
        %swap3A_859 = vector.shape_cast %mul3A_854 : vector<16xf32> to vector<1x16xf32>
        tpu.vector_store %arg9[%swap3A_855, %swap3A_856], %swap3A_859 {strides = array<i32>} : memref<16x1024xf32, #tpu.memory_space<vmem>>, vector<1x16xf32>,
        %get3A_860 = arith.index_cast %add3A_129 : i32 to index
        %get3A_861 = arith.constant 976 : index
        %get3A_862 = tpu.vector_load %arg7[%get3A_860, %get3A_861] {strides = array<i32>} : memref<16x1024xf32, #tpu.memory_space<vmem>>, vector<1x16xf32>,
        %get3A_863 = vector.shape_cast %get3A_862 : vector<1x16xf32> to vector<16xf32>
        %mul3A_864 = arith.constant 3.200000e+01 : f32
        %mul3A_865 = vector.broadcast %mul3A_864 : f32 to vector<16xf32>
        %mul3A_866 = arith.mulf %get3A_863, %mul3A_865 : vector<16xf32>
        %swap3A_867 = arith.index_cast %add3A_129 : i32 to index
        %swap3A_868 = arith.constant 976 : index
        %swap3A_869 = tpu.vector_load %arg9[%swap3A_867, %swap3A_868] {strides = array<i32>} : memref<16x1024xf32, #tpu.memory_space<vmem>>, vector<1x16xf32>,
        %swap3A_870 = vector.shape_cast %swap3A_869 : vector<1x16xf32> to vector<16xf32>
        %swap3A_871 = vector.shape_cast %mul3A_866 : vector<16xf32> to vector<1x16xf32>
        tpu.vector_store %arg9[%swap3A_867, %swap3A_868], %swap3A_871 {strides = array<i32>} : memref<16x1024xf32, #tpu.memory_space<vmem>>, vector<1x16xf32>,
        %get3A_872 = arith.index_cast %add3A_129 : i32 to index
        %get3A_873 = arith.constant 992 : index
        %get3A_874 = tpu.vector_load %arg7[%get3A_872, %get3A_873] {strides = array<i32>} : memref<16x1024xf32, #tpu.memory_space<vmem>>, vector<1x16xf32>,
        %get3A_875 = vector.shape_cast %get3A_874 : vector<1x16xf32> to vector<16xf32>
        %mul3A_876 = arith.constant 3.200000e+01 : f32
        %mul3A_877 = vector.broadcast %mul3A_876 : f32 to vector<16xf32>
        %mul3A_878 = arith.mulf %get3A_875, %mul3A_877 : vector<16xf32>
        %swap3A_879 = arith.index_cast %add3A_129 : i32 to index
        %swap3A_880 = arith.constant 992 : index
        %swap3A_881 = tpu.vector_load %arg9[%swap3A_879, %swap3A_880] {strides = array<i32>} : memref<16x1024xf32, #tpu.memory_space<vmem>>, vector<1x16xf32>,
        %swap3A_882 = vector.shape_cast %swap3A_881 : vector<1x16xf32> to vector<16xf32>
        %swap3A_883 = vector.shape_cast %mul3A_878 : vector<16xf32> to vector<1x16xf32>
        tpu.vector_store %arg9[%swap3A_879, %swap3A_880], %swap3A_883 {strides = array<i32>} : memref<16x1024xf32, #tpu.memory_space<vmem>>, vector<1x16xf32>,
        %get3A_884 = arith.index_cast %add3A_129 : i32 to index
        %get3A_885 = arith.constant 1008 : index
        %get3A_886 = tpu.vector_load %arg7[%get3A_884, %get3A_885] {strides = array<i32>} : memref<16x1024xf32, #tpu.memory_space<vmem>>, vector<1x16xf32>,
        %get3A_887 = vector.shape_cast %get3A_886 : vector<1x16xf32> to vector<16xf32>
        %mul3A_888 = arith.constant 3.200000e+01 : f32
        %mul3A_889 = vector.broadcast %mul3A_888 : f32 to vector<16xf32>
        %mul3A_890 = arith.mulf %get3A_887, %mul3A_889 : vector<16xf32>
        %swap3A_891 = arith.index_cast %add3A_129 : i32 to index
        %swap3A_892 = arith.constant 1008 : index
        %swap3A_893 = tpu.vector_load %arg9[%swap3A_891, %swap3A_892] {strides = array<i32>} : memref<16x1024xf32, #tpu.memory_space<vmem>>, vector<1x16xf32>,
        %swap3A_894 = vector.shape_cast %swap3A_893 : vector<1x16xf32> to vector<16xf32>
        %swap3A_895 = vector.shape_cast %mul3A_890 : vector<16xf32> to vector<1x16xf32>
        tpu.vector_store %arg9[%swap3A_891, %swap3A_892], %swap3A_895 {strides = array<i32>} : memref<16x1024xf32, #tpu.memory_space<vmem>>, vector<1x16xf32>,
      }
      %scan3A_110 = arith.constant 16 : i32
      %lt3A_111 = arith.constant 30 : i32
      %lt3A_112 = arith.cmpi slt, %add3A_94, %lt3A_111 : i32
      %convert_element_type3A_113 = arith.extui %lt3A_112 : i1 to i32
      %cond3A_114 = arith.constant 0 : i32
      %cond3A_115 = arith.cmpi ne, %convert_element_type3A_113, %cond3A_114 : i32
      scf.if %cond3A_115 {
        %add3A_125 = arith.constant 2 : i32
        %add3A_126 = arith.addi %add3A_94, %add3A_125 : i32
        %mul3A_127 = arith.constant 16 : i32
        %mul3A_128 = arith.muli %add3A_126, %mul3A_127 : i32
        %dma_start3A_129 = tpu.memref_slice %arg5[%mul3A_128] : memref<512xi32, #tpu.memory_space<vmem>> -> memref<16xi32, #tpu.memory_space<vmem>>
        %dma_start3A_130 = arith.constant 0 : i32
        %dma_start3A_131 = arith.constant 0 : i32
        %dma_start3A_132 = tpu.memref_slice %arg3[%dma_start3A_130, %dma_start3A_131] : memref<100000x1024xf32, #tpu.memory_space<hbm>> -> memref<100000x1024xf32, #tpu.memory_space<hbm>>
        tpu.enqueue_indirect_dma source(%dma_start3A_132 : memref<100000x1024xf32, #tpu.memory_space<hbm>>) target(%arg7 : memref<16x1024xf32, #tpu.memory_space<vmem>>) offsets(%dma_start3A_129 : memref<16xi32, #tpu.memory_space<vmem>>) semaphore(%arg11 : memref<!tpu.dma_semaphore, #tpu.memory_space<semaphore_mem>>)
      } else {
      }
      %mul3A_116 = arith.constant 16 : i32
      %mul3A_117 = arith.muli %add3A_94, %mul3A_116 : i32
      %add3A_118 = arith.addi %mul3A_32, %mul3A_117 : i32
      %dma_start3A_119 = arith.constant 0 : i32
      %dma_start3A_120 = tpu.memref_slice %arg4[%select_n3A, %add3A_118, %dma_start3A_119] : memref<4x4096x1024xf32, #tpu.memory_space<hbm>> -> memref<1x16x1024xf32, #tpu.memory_space<hbm>>
      %dma_start3A_121 = tpu.memref_squeeze %dma_start3A_120 : memref<1x16x1024xf32, #tpu.memory_space<hbm>> -> memref<16x1024xf32, #tpu.memory_space<hbm>>
      %dma_start3A_122 = arith.constant 0 : i32
      %dma_start3A_123 = tpu.memref_slice %arg4[%select_n3A, %add3A_118, %dma_start3A_122] : memref<4x4096x1024xf32, #tpu.memory_space<hbm>> -> memref<1x16x1024xf32, #tpu.memory_space<hbm>>
      %dma_start3A_124 = tpu.memref_squeeze %dma_start3A_123 : memref<1x16x1024xf32, #tpu.memory_space<hbm>> -> memref<16x1024xf32, #tpu.memory_space<hbm>>
      tpu.enqueue_dma source(%arg9 : memref<16x1024xf32, #tpu.memory_space<vmem>>) target(%dma_start3A_124 : memref<16x1024xf32, #tpu.memory_space<hbm>>) target_semaphore(%arg13 : memref<!tpu.dma_semaphore, #tpu.memory_space<semaphore_mem>>)
    }
    %scan3A_45 = arith.constant 16 : i32
    %add3A_46 = arith.constant 480 : i32
    %add3A_47 = arith.addi %mul3A_32, %add3A_46 : i32
    %dma_wait3A = arith.constant 0 : i32
    %dma_wait3A_48 = tpu.memref_slice %arg4[%select_n3A, %add3A_47, %dma_wait3A] : memref<4x4096x1024xf32, #tpu.memory_space<hbm>> -> memref<1x16x1024xf32, #tpu.memory_space<hbm>>
    %dma_wait3A_49 = tpu.memref_squeeze %dma_wait3A_48 : memref<1x16x1024xf32, #tpu.memory_space<hbm>> -> memref<16x1024xf32, #tpu.memory_space<hbm>>
    %dma_wait3A_50 = arith.constant 0 : i32
    %dma_wait3A_51 = tpu.memref_slice %arg4[%select_n3A, %add3A_47, %dma_wait3A_50] : memref<4x4096x1024xf32, #tpu.memory_space<hbm>> -> memref<1x16x1024xf32, #tpu.memory_space<hbm>>
    %dma_wait3A_52 = tpu.memref_squeeze %dma_wait3A_51 : memref<1x16x1024xf32, #tpu.memory_space<hbm>> -> memref<16x1024xf32, #tpu.memory_space<hbm>>
    tpu.wait_dma2 semaphore(%arg12 : memref<!tpu.dma_semaphore, #tpu.memory_space<semaphore_mem>>) src(%arg8 : memref<16x1024xf32, #tpu.memory_space<vmem>>) dst(%dma_wait3A_52 : memref<16x1024xf32, #tpu.memory_space<hbm>>)
    %add3A_53 = arith.constant 496 : i32
    %add3A_54 = arith.addi %mul3A_32, %add3A_53 : i32
    %dma_wait3A_55 = arith.constant 0 : i32
    %dma_wait3A_56 = tpu.memref_slice %arg4[%select_n3A, %add3A_54, %dma_wait3A_55] : memref<4x4096x1024xf32, #tpu.memory_space<hbm>> -> memref<1x16x1024xf32, #tpu.memory_space<hbm>>
    %dma_wait3A_57 = tpu.memref_squeeze %dma_wait3A_56 : memref<1x16x1024xf32, #tpu.memory_space<hbm>> -> memref<16x1024xf32, #tpu.memory_space<hbm>>
    %dma_wait3A_58 = arith.constant 0 : i32
    %dma_wait3A_59 = tpu.memref_slice %arg4[%select_n3A, %add3A_54, %dma_wait3A_58] : memref<4x4096x1024xf32, #tpu.memory_space<hbm>> -> memref<1x16x1024xf32, #tpu.memory_space<hbm>>
    %dma_wait3A_60 = tpu.memref_squeeze %dma_wait3A_59 : memref<1x16x1024xf32, #tpu.memory_space<hbm>> -> memref<16x1024xf32, #tpu.memory_space<hbm>>
    tpu.wait_dma2 semaphore(%arg13 : memref<!tpu.dma_semaphore, #tpu.memory_space<semaphore_mem>>) src(%arg9 : memref<16x1024xf32, #tpu.memory_space<vmem>>) dst(%dma_wait3A_60 : memref<16x1024xf32, #tpu.memory_space<hbm>>)
    return
  }
}

</mosaic_0001>

<sc_bundles>
// kernel: kernel.3.cloned.1.call-start
scs
__scs_entry_jumppad:
0x0: {  	(pc) =	sbr.rel $0x88, $3  }
0x1: {  	(tag) =	ssettag $0x0;
	lr =	simm.s32 $0x1  }
0x2: {  	[smem:$0x3F9F] =	sst lr;
	_ =	strace $0xD0000000  }
0x3: {  	_ = 	snop  }
0x4: {  	_ = 	snop  }
0x5: {  	_ = 	snop  }
0x6: {  	_ = 	snop  }
0x7: {  	_ = 	snop  }
__scs_overlays_trampoline_lowered:
0x8: {  	[smem:$0x3FAE] =	sst s0  }
0x9: {  	[smem:$0x3FAF] =	sst s1  }
0xa: {  	[smem:$0x3FB0] =	sst s2  }
0xb: {  	[smem:$0x3FB1] =	sst s3  }
0xc: {  	[smem:$0x3FB2] =	sst s4  }
0xd: {  	[smem:$0x3FB3] =	sst s5  }
0xe: {  	[smem:$0x3FB4] =	sst s6  }
0xf: {  	[smem:$0x3FB5] =	sst s7  }
0x10: {  	[smem:$0x3FB6] =	sst s8  }
0x11: {  	[smem:$0x3FB7] =	sst s9;
	s0 =	simm.s32 @!p0 $0x0  }
0x12: {  	s1 =	sld [smem:$0x3F9D];
	s0 =	simm.s32 @p0 $0x1  }
0x13: {  	[smem:$0x3FB8] =	sst s0;
	s0 =	simm.s32 @!p1 $0x0  }
0x14: {  	s2 =	sld [smem:$0x3F9C];
	s0 =	simm.s32 @p1 $0x1  }
0x15: {  	[smem:$0x3FB9] =	sst s0;
	s0 =	simm.s32 @!p2 $0x0  }
0x16: {  	s3 =	sld [smem:$0x3FDB];
	s0 =	simm.s32 @p2 $0x1  }
0x17: {  	s4 =	simm.s32 $0x1BF5;
	[smem:$0x3FBB] =	sst s0  }
0x18: {  	s0 =	sld [smem:$0x3F9E];
	_ =	swait.ge [sflag:s4], $0x0  }
0x19: {  	s7 =	sld [smem:$0x3F9F]  }
0x1a: {  	s8 =	sadd.s32 $0xFFFFE003, lr  }
0x1b: {  	s9 =	sadd.s32 $0xFFFFFEF7, lr;
	s5 =	simm.s32 $0xFFFFFFFF;
	p2 =	slt.u32 s8, $0xFFFFF086  }
0x1c: {  	p1 =	slt.u32 s9, $0xF7A;
	s5 =	simm.s32 @!p2 $0x0  }
0x1d: {  	s5 =	simm.s32 @p1 $0x1;
	p0 =	seq.s32 s7, s2  }
0x1e: {  	s7 =	smul.u32 @!p0 $0xF7A, s2;
	p2 =	seq.s32 @!p0 s5, $0x0  }
0x1f: {  	s9 =	smul.u32 $0xF7A, s1;
	s8 =	simm.s32 @!p0 $0x1BF5;
	p2 =	por !p2, p0  }
0x20: {  	[sflag:s8] =	ssyncset.s32 @!p0 $0xFFFFF086;
	s6 =	sadd.s32 @!p0 s3, s7;
	s7 =	simm.s32 @!p0 $0x108  }
0x21: {  	s3 =	sadd.s32 s3, s9;
	s6 =	sadd.s32 @!p0 $0x88, s6;
	s7 =	simm.s32 @p2 $0x1082  }
0x22: {  	[simem:s7], [sflag:s8] =	dma.local @!p0 [hbm:s6], $0xF7A  }
0x23: {  	s9 =	sor.u32 $0xD0000000, s2;
	s6 =	simm.s32 $0x108;
	_ =	swait.ge @!p0 [sflag:s8], $0x0  }
0x24: {  	s3 =	sadd.s32 $0x88, s3;
	s6 =	simm.s32 @!p1 $0x1082;
	[sflag:s4] =	ssyncset.s32 $0xFFFFF086  }
0x25: {  	[simem:s6], [sflag:s4] =	dma.local [hbm:s3], $0xF7A  }
0x26: {  	[smem:$0x3F9F] =	sst s1;
	(tag) =	ssettag s2;
	_ =	strace s9  }
0x27: {  	s1 =	sld [smem:$0x3FAF]  }
0x28: {  	s2 =	sld [smem:$0x3FB0]  }
0x29: {  	s4 =	sld [smem:$0x3FB2]  }
0x2a: {  	p0 =	seq.s32 s5, $0x0;
	s5 =	sld [smem:$0x3FB3]  }
0x2b: {  	s6 =	sld [smem:$0x3FB4]  }
0x2c: {  	s7 =	sld [smem:$0x3FB5]  }
0x2d: {  	s3 =	simm.s32 $0x108;
	s8 =	sld [smem:$0x3FB6]  }
0x2e: {  	s3 =	simm.s32 @!p0 $0x1082;
	s9 =	sld [smem:$0x3FB7]  }
0x2f: {  	lr =	sadd.s32 s0, s3;
	s0 =	sld [smem:$0x3FAE]  }
0x30: {  	s3 =	sld [smem:$0x3FB1]  }
0x31: {  	[smem:$0x3FBA] =	sst s10  }
0x32: {  	s10 =	sld [smem:$0x3FB8];
	_ =	sdelay $0x3  }
0x33: {  	p0 =	seq.s32 s10, $0x1;
	s10 =	sld [smem:$0x3FBA];
	_ =	sdelay $0x3  }
0x34: {  	[smem:$0x3FBA] =	sst s10  }
0x35: {  	s10 =	sld [smem:$0x3FB9];
	_ =	sdelay $0x3  }
0x36: {  	p1 =	seq.s32 s10, $0x1;
	s10 =	sld [smem:$0x3FBA];
	_ =	sdelay $0x3  }
0x37: {  	[smem:$0x3FBA] =	sst s10  }
0x38: {  	s10 =	sld [smem:$0x3FBB]  }
0x39: {  	_ = 	snop;
	(pc) =	sbr.ind lr, $3  }
0x3a: {  	_ = 	snop  }
0x3b: {  	_ = 	snop  }
0x3c: {  	p2 =	seq.s32 s10, $0x1;
	s10 =	sld [smem:$0x3FBA]  }
0x3d: {  	_ =	shalt  }
0x3e: {  	_ =	shalt  }
0x3f: {  	_ =	shalt  }
0x40: {  	_ =	shalt  }
0x41: {  	_ =	shalt  }
0x42: {  	_ =	shalt  }
0x43: {  	_ =	shalt  }
0x44: {  	_ =	shalt  }
0x45: {  	_ =	shalt  }
0x46: {  	_ =	shalt  }
0x47: {  	_ =	shalt  }
0x48: {  	_ =	shalt  }
0x49: {  	_ =	shalt  }
0x4a: {  	_ =	shalt  }
0x4b: {  	_ =	shalt  }
0x4c: {  	_ =	shalt  }
0x4d: {  	_ =	shalt  }
0x4e: {  	_ =	shalt  }
0x4f: {  	_ =	shalt  }
0x50: {  	_ =	shalt  }
0x51: {  	_ =	shalt  }
0x52: {  	_ =	shalt  }
0x53: {  	_ =	shalt  }
0x54: {  	_ =	shalt  }
0x55: {  	_ =	shalt  }
0x56: {  	_ =	shalt  }
0x57: {  	_ =	shalt  }
0x58: {  	_ =	shalt  }
0x59: {  	_ =	shalt  }
0x5a: {  	_ =	shalt  }
0x5b: {  	_ =	shalt  }
0x5c: {  	_ =	shalt  }
0x5d: {  	_ =	shalt  }
0x5e: {  	_ =	shalt  }
0x5f: {  	_ =	shalt  }
0x60: {  	_ =	shalt  }
0x61: {  	_ =	shalt  }
0x62: {  	_ =	shalt  }
0x63: {  	_ =	shalt  }
0x64: {  	_ =	shalt  }
0x65: {  	_ =	shalt  }
0x66: {  	_ =	shalt  }
0x67: {  	_ =	shalt  }
0x68: {  	_ =	shalt  }
0x69: {  	_ =	shalt  }
0x6a: {  	_ =	shalt  }
0x6b: {  	_ =	shalt  }
0x6c: {  	_ =	shalt  }
0x6d: {  	_ =	shalt  }
0x6e: {  	_ =	shalt  }
0x6f: {  	_ =	shalt  }
0x70: {  	_ =	shalt  }
0x71: {  	_ =	shalt  }
0x72: {  	_ =	shalt  }
0x73: {  	_ =	shalt  }
0x74: {  	_ =	shalt  }
0x75: {  	_ =	shalt  }
0x76: {  	_ =	shalt  }
0x77: {  	_ =	shalt  }
0x78: {  	_ =	shalt  }
0x79: {  	_ =	shalt  }
0x7a: {  	_ =	shalt  }
0x7b: {  	_ =	shalt  }
0x7c: {  	_ =	shalt  }
0x7d: {  	_ =	shalt  }
0x7e: {  	_ =	shalt  }
0x7f: {  	_ =	shalt  }
0x80: {  	_ =	shalt  }
0x81: {  	_ =	shalt  }
0x82: {  	_ =	shalt  }
0x83: {  	_ =	shalt  }
0x84: {  	_ =	shalt  }
0x85: {  	_ =	shalt  }
0x86: {  	_ =	shalt  }
0x87: {  	_ =	shalt  }
.Lfunc_end0:
.L_simem_size_0:
called_computation_lowered:
.L_overlay_start_0:
0x88: {  	s2 =	sld [smem:$0x3FD9]  }
0x89: {  	s3 =	sld [smem:$0x3FFE];
	_ =	sdelay $0x1  }
0x8a: {  	s1 =	srdreg.scid  }
0x8b: {  	s0 =	sand.u32 $0x1, s1  }
0x8c: {  	s18 =	sshll.u32 s0, $0xA;
	s2 =	sadd.s32 s3, s2  }
0x8d: {  	s2 =	sadd.s32 s2, s18  }
0x8e: {  	[smem:$0x3FC6] =	sst s2  }
0x8f: {  	_ = 	snop  }
0x90: {  	s2 =	sld [smem:$0x3FC9]  }
0x91: {  	s19 =	sld [smem:$0x3FC8]  }
0x92: {  	s4 =	sld [smem:$0x3FD0];
	(tm) =	ssettm $0x1  }
0x93: {  	s5 =	sld [smem:$0x3FFB];
	_ =	sdelay $0x3  }
0x94: {  	_ =	strace s5  }
0x95: {  	s5 =	sld [smem:$0x3FFC];
	_ =	sdelay $0x3  }
0x96: {  	_ =	strace s5  }
0x97: {  	s5 =	sld [smem:$0x3FFD];
	_ =	sdelay $0x3  }
0x98: {  	_ =	strace s5  }
0x99: {  	_ =	strace $0x8FFFFFFF  }
0x9a: {  	s20 =	sld [smem:$0x3FDB];
	_ =	sdelay $0x1  }
0x9b: {  	s6 =	simm.s32 $_scs_section_size  }
0x9c: {  	s7 =	simm.s32 $_size__tile_overlayer_lowered;
	s8 =	simm.s32 $_tile_overlayer_lowered  }
0x9d: {  	s23 =	simm.s32 $0x1BFF;
	s22 =	sshll.u32 s8, $0x1;
	s5 =	sadd.s32 s6, s20  }
0x9e: {  	s9 =	simm.s32 $0x0;
	s21 =	sshll.u32 s7, $0x1;
	s7 =	sadd.s32 s22, s5  }
0x9f: {  	[timem:s9], [sflag:s23] =	dma.local [hbm:s7], s21  }
0xa0: {  	_ =	swait.ge [sflag:s23], s21  }
0xa1: {  	s6 =	ssub.s32 $0x0, s21;
	[sflag:s23] =	ssyncset.done $0x0  }
0xa2: {  	[sflag:s23] =	ssyncadd.s32 s6;
	_ =	sdelay $0x1  }
0xa3: {  	s24 =	simm.s32 $0x1B8B  }
0xa4: {  	_ =	swait.ge [sflag:s24], $0x1  }
0xa5: {  	[sflag:s24] =	ssyncset.done $0x0  }
0xa6: {  	s25 =	simm.s32 $0x1B8E;
	[sflag:s24] =	ssyncadd.s32 $0xFFFFFFFF  }
0xa7: {  	s26 =	simm.s32 $execute0_lowered;
	[smem:$0x3FD2] =	sst s25  }
0xa8: {  	s6 =	sshll.u32 s26, $0x1;
	_ =	strace $0x80000046;
	[dreg:$0x1] =	wrdreg $0xFFFFFFFF  }
0xa9: {  	s28 =	simm.s32 $_size_execute0_lowered;
	s5 =	sadd.s32 s5, s6;
	[dreg:$0x0] =	wrdreg $0x0  }
0xaa: {  	s6 =	sshll.u32 s28, $0x1;
	[dreg:$0x2] =	wrdreg s5  }
0xab: {  	[dreg:$0x3] =	wrdreg s6  }
0xac: {  	[dreg:$0x4] =	wrdreg $0xC0  }
0xad: {  	_ =	task [dreg:s9], $0x5FFFF  }
0xae: {  	[dreg:$0x1] =	wrdreg $0xFFFFFFFF  }
0xaf: {  	[dreg:$0x0] =	wrdreg $0x60  }
0xb0: {  	[dreg:$0x2] =	wrdreg s2  }
0xb1: {  	[dreg:$0x3] =	wrdreg s19  }
0xb2: {  	[dreg:$0x4] =	wrdreg s4  }
0xb3: {  	[dreg:$0x5] =	wrdreg $0x9  }
0xb4: {  	_ =	task.clear_ibuf [dreg:s9], $0x6FFFF;
	_ =	strace $0x90000046  }
0xb5: {  	s29 =	simm.s32 $0x9;
	_ =	strace $0x80000048  }
0xb6: {  	_ =	swait.ge [sflag:s29], $0x1  }
0xb7: {  	[sflag:s29] =	ssyncadd.s32 $0xFFFFFFFF  }
0xb8: {  	_ =	strace $0x90000048  }
0xb9: {  	_ =	sfence  }
0xba: {  	s30 =	sld [smem:$0x0];
	_ =	sdelay $0x2  }
0xbb: {  	s31 =	sshll.u32 s1, $0xD;
	s1 =	sshrl.u32 s1, $0x2  }
0xbc: {  	s3 =	sand.u32 $0x4000, s31;
	s1 =	sadd.s32 s1, s30  }
0xbd: {  	s0 =	sor.u32 s3, s0;
	s1 =	sshll.u32 s1, $0x11  }
0xbe: {  	s0 =	sor.u32 s1, s0  }
0xbf: {  	s0 =	sadd.s32 $0x8F2B, s0  }
0xc0: {  	[sflag:s0] =	ssyncadd.remote.s32 $0x1  }
0xc1: {  	_ =	sfence.sel $0xFFFF  }
0xc2: {  	[dreg:$0x0] =	wrdreg $0xFFFFFFFF;
	(pc) =	sbr.abs _section_cstart, $3  }
0xc3: {  	[dreg:$0x1] =	wrdreg $0xFFFFFFFF  }
0xc4: {  	_ =	task.clear_ibuf [dreg:s9], $0x2FFFF;
	_ =	strace $0x9FFFFFFF  }
0xc5: {  	(tm) =	ssettm $0x7FFFFFFF  }
tec
execute0_lowered:
.L_overlay_start_1:
0x0: {  	(tag) =	ssettag $0x1  }
0x1: {  	s0 =	rddreg [dreg:$0x0]  }
0x2: {  	s1 =	rddreg [dreg:$0x1]  }
0x3: {  	s3 =	rddreg [dreg:$0x2];
	s4 =	simm.s32 $0x0;
	s6 =	stileid.u32  }
0x4: {  	s2 =	srdreg.scid;
	s13 =	simm.s32 $0x200;
	s14 =	simm.s32 $0x5  }
0x5: {  	s28 =	simm.s32 $0x6A00;
	s29 =	simm.s32 $0x7200;
	s30 =	simm.s32 $0x7A00  }
0x6: {  	s31 =	simm.s32 $0x1;
	s12 =	simm.s32 $0xC200;
	s15 =	simm.s32 $0x3  }
0x7: {  	s16 =	simm.s32 $0x4;
	s17 =	simm.s32 $0x0;
	[smem:$0x7FF] =	sst s4  }
0x8: {  	s5 =	sshll.u32 s6, $0x1;
	s2 =	sand.u32 $0x1, s2;
	s10 =	sshrl.u32 s6, $0x2  }
0x9: {  	s9 =	sadd.s32 $0x300, s1;
	_ =	strace $0x80000047;
	s5 =	sand.u32 $0x6, s5  }
0xa: {  	s25 =	ssub.s32 $0x2, s2;
	s26 =	sshll.u32 s10, $0x4;
	s10 =	sshll.u32 s10, $0x16  }
0xb: {  	s2 =	sor.u32 s2, s5;
	s7 =	sshrl.u32 s25, $0x1;
	s0 =	sadd.s32 s0, s26  }
0xc: {  	v2 =	vlaneseq.u32;
	s8 =	sshll.u32 s2, $0x8;
	s11 =	ssub.s32 s25, s7;
	s5 =	sshll.u32 s2, $0x13  }
0xd: {  	vm0 =	vmmov $0xffff;
	v1 =	vshrl.u32 v2, $0x3;
	s7 =	sadd.s32 $0x100, s1;
	s2 =	simm.s32 $0x2;
	s6 =	sadd.s32 s8, s0  }
0xe: {  	v0 =	vand.u32 $0x7, v2;
	v2 =	vor.u32 $0x8, v2;
	v1 =	vmul.u32 $0x8, v1;
	s8 =	sadd.s32 $0x200, s1;
	s11 =	smax.u32 s11, $0x1;
	s0 =	simm.s32 $0x8200  }
.LBB2_1:
0xf: {  	s18 =	simm.s32 $0x80  }
0x10: {  	[tilespmem:s4], [sflag:$0x5] =	stream.strided.gather [hbm4b:s6+s18], $0x200, s13, s18, $0x38;
	[tilespmem:$0x10200] =	vst v63  }
0x11: {  	_ =	swait.ge [sflag:s14], $0x200  }
0x12: {  	[sflag:s14] =	ssyncset.done $0x0  }
0x13: {  	[sflag:s14] =	ssyncadd.s32 $0xFFFFFE00  }
0x14: {  	v3 =	vld [tilespmem:$0x0];
	_ =	sdelay $0x4  }
0x15: {  	v4 =	vshll.u32 v3, $0x3  }
0x16: {  	v3 =	vand.u32 $0x7, v3;
	v4 =	vand.u32 $0xFFFFFFC0, v4  }
0x17: {  	v3 =	vor.u32 v3, v4  }
0x18: {  	v4 =	vperm.xlane v3, v0;
	_ =	sdelay $0x1  }
0x19: {  	v4 =	vadd.s32 v1, v4;
	_ =	sdelay $0x4  }
0x1a: {  	[tilespmem:s13], [sflag:$0x1] =	stream.indirect_vreg.gather [hbm4b:s1+s4], $0x80, v4, vm0, $0xb8;
	[tilespmem:$0x10200] =	vst v63  }
0x1b: {  	s23 =	simm.s32 $0xA00;
	v3 =	vperm.xlane v3, v2  }
0x1c: {  	[tilespmem:s23], [sflag:$0x1] =	stream.indirect_vreg.gather [hbm4b:s7+s4], $0x80, v4, vm0, $0xb8;
	[tilespmem:$0x10200] =	vst v63  }
0x1d: {  	s24 =	simm.s32 $0x1200;
	v3 =	vadd.s32 v1, v3  }
0x1e: {  	[tilespmem:s24], [sflag:$0x1] =	stream.indirect_vreg.gather [hbm4b:s8+s4], $0x80, v4, vm0, $0xb8;
	[tilespmem:$0x10200] =	vst v63  }
0x1f: {  	s25 =	simm.s32 $0x1A00  }
0x20: {  	[tilespmem:s25], [sflag:$0x1] =	stream.indirect_vreg.gather [hbm4b:s9+s4], $0x80, v4, vm0, $0xb8;
	[tilespmem:$0x10200] =	vst v63  }
0x21: {  	s26 =	simm.s32 $0x2200  }
0x22: {  	[tilespmem:s26], [sflag:$0x1] =	stream.indirect_vreg.gather [hbm4b:s1+s4], $0x80, v3, vm0, $0xb8;
	[tilespmem:$0x10200] =	vst v63  }
0x23: {  	s19 =	simm.s32 $0x2A00  }
0x24: {  	[tilespmem:s19], [sflag:$0x1] =	stream.indirect_vreg.gather [hbm4b:s7+s4], $0x80, v3, vm0, $0xb8;
	[tilespmem:$0x10200] =	vst v63  }
0x25: {  	s20 =	simm.s32 $0x3200  }
0x26: {  	[tilespmem:s20], [sflag:$0x1] =	stream.indirect_vreg.gather [hbm4b:s8+s4], $0x80, v3, vm0, $0xb8;
	[tilespmem:$0x10200] =	vst v63  }
0x27: {  	s21 =	simm.s32 $0x3A00  }
0x28: {  	[tilespmem:s21], [sflag:$0x1] =	stream.indirect_vreg.gather [hbm4b:s9+s4], $0x80, v3, vm0, $0xb8;
	[tilespmem:$0x10200] =	vst v63  }
0x29: {  	v3 =	vld [tilespmem:$0x10];
	_ =	sdelay $0x4  }
0x2a: {  	v63 =	vshll.u32 v3, $0x3  }
0x2b: {  	v3 =	vand.u32 $0x7, v3;
	v4 =	vand.u32 $0xFFFFFFC0, v63  }
0x2c: {  	v3 =	vor.u32 v3, v4  }
0x2d: {  	v4 =	vperm.xlane v3, v0;
	_ =	sdelay $0x1  }
0x2e: {  	v4 =	vadd.s32 v1, v4;
	_ =	sdelay $0x3  }
0x2f: {  	s22 =	simm.s32 $0x4200  }
0x30: {  	[tilespmem:s22], [sflag:$0x2] =	stream.indirect_vreg.gather [hbm4b:s1+s4], $0x80, v4, vm0, $0xb8;
	[tilespmem:$0x10200] =	vst v63  }
0x31: {  	s23 =	simm.s32 $0x4A00;
	v3 =	vperm.xlane v3, v2  }
0x32: {  	[tilespmem:s23], [sflag:$0x2] =	stream.indirect_vreg.gather [hbm4b:s7+s4], $0x80, v4, vm0, $0xb8;
	[tilespmem:$0x10200] =	vst v63  }
0x33: {  	s24 =	simm.s32 $0x5200;
	v3 =	vadd.s32 v1, v3  }
0x34: {  	[tilespmem:s24], [sflag:$0x2] =	stream.indirect_vreg.gather [hbm4b:s8+s4], $0x80, v4, vm0, $0xb8;
	[tilespmem:$0x10200] =	vst v63  }
0x35: {  	s25 =	simm.s32 $0x5A00  }
0x36: {  	[tilespmem:s25], [sflag:$0x2] =	stream.indirect_vreg.gather [hbm4b:s9+s4], $0x80, v4, vm0, $0xb8;
	[tilespmem:$0x10200] =	vst v63  }
0x37: {  	s26 =	simm.s32 $0x6200  }
0x38: {  	[tilespmem:s26], [sflag:$0x2] =	stream.indirect_vreg.gather [hbm4b:s1+s4], $0x80, v3, vm0, $0xb8;
	[tilespmem:$0x10200] =	vst v63  }
0x39: {  	_ = 	snop  }
0x3a: {  	[tilespmem:s28], [sflag:$0x2] =	stream.indirect_vreg.gather [hbm4b:s7+s4], $0x80, v3, vm0, $0xb8;
	[tilespmem:$0x10200] =	vst v63  }
0x3b: {  	_ = 	snop  }
0x3c: {  	[tilespmem:s29], [sflag:$0x2] =	stream.indirect_vreg.gather [hbm4b:s8+s4], $0x80, v3, vm0, $0xb8;
	[tilespmem:$0x10200] =	vst v63  }
0x3d: {  	s18 =	simm.s32 $0x0  }
0x3e: {  	[tilespmem:s30], [sflag:$0x2] =	stream.indirect_vreg.gather [hbm4b:s9+s4], $0x80, v3, vm0, $0xb8;
	[tilespmem:$0x10200] =	vst v63  }
.LBB2_2:
0x3f: {  	_ =	swait.ge [sflag:s31], $0x4000  }
0x40: {  	p1 =	seq.s32 s18, $0x0;
	[sflag:s31] =	ssyncset.done $0x0  }
0x41: {  	s19 =	simm.s32 @!p1 $0x3;
	[sflag:s31] =	ssyncadd.s32 $0xFFFFC000  }
0x42: {  	s20 =	sshll.u32 s18, $0xF;
	_ =	swait.ge @!p1 [sflag:s19], $0x4000  }
0x43: {  	s21 =	simm.s32 $0xFFFFC000;
	s22 =	simm.s32 $0x0;
	[sflag:s19] =	ssyncset.done @!p1 $0x0  }
0x44: {  	s23 =	simm.s32 $0x0;
	[sflag:s19] =	ssyncadd.s32 @!p1 $0xFFFFC000;
	s19 =	simm.s32 $0x0  }
.LBB2_3:
0x45: {  	s24 =	sadd.s32 $0x4000, s21  }
0x46: {  	s25 =	sand.u32 $0x380, s23;
	s24 =	sand.u32 $0x2000, s24  }
0x47: {  	s24 =	sor.u32 s25, s24  }
0x48: {  	v3 =	vld [tilespmem:s24+$0x200]  }
0x49: {  	v4 =	vld [tilespmem:s24+$0x210]  }
0x4a: {  	v6 =	vld [tilespmem:s24+$0x230]  }
0x4b: {  	v5 =	vld [tilespmem:s24+$0x220]  }
0x4c: {  	v8 =	vld [tilespmem:s24+$0x250]  }
0x4d: {  	v7 =	vld [tilespmem:s24+$0x240];
	v3 =	vmul.f32 $3.200000000e+01, v3  }
0x4e: {  	v40 =	vld [tilespmem:s24+$0x270];
	v4 =	vmul.f32 $3.200000000e+01, v4  }
0x4f: {  	v9 =	vld [tilespmem:s24+$0x260];
	v41 =	vmul.f32 $3.200000000e+01, v6;
	[tilespmem:s24+$0x8200] =	vst v3  }
0x50: {  	v43 =	vld [tilespmem:s24+$0x610];
	v3 =	vmul.f32 $3.200000000e+01, v5;
	[tilespmem:s24+$0x8210] =	vst v4  }
0x51: {  	v42 =	vld [tilespmem:s24+$0x600];
	v44 =	vmul.f32 $3.200000000e+01, v8;
	[tilespmem:s24+$0x8230] =	vst v41  }
0x52: {  	v46 =	vld [tilespmem:s24+$0x630];
	[tilespmem:s24+$0x8220] =	vst v3;
	v3 =	vmul.f32 $3.200000000e+01, v7  }
0x53: {  	v45 =	vld [tilespmem:s24+$0x620];
	v47 =	vmul.f32 $3.200000000e+01, v40;
	[tilespmem:s24+$0x8250] =	vst v44  }
0x54: {  	v49 =	vld [tilespmem:s24+$0x650];
	[tilespmem:s24+$0x8240] =	vst v3;
	v3 =	vmul.f32 $3.200000000e+01, v9  }
0x55: {  	v48 =	vld [tilespmem:s24+$0x640];
	v50 =	vmul.f32 $3.200000000e+01, v43;
	[tilespmem:s24+$0x8270] =	vst v47  }
0x56: {  	v52 =	vld [tilespmem:s24+$0x670];
	[tilespmem:s24+$0x8260] =	vst v3;
	v3 =	vmul.f32 $3.200000000e+01, v42  }
0x57: {  	v51 =	vld [tilespmem:s24+$0x660];
	v53 =	vmul.f32 $3.200000000e+01, v46;
	[tilespmem:s24+$0x8610] =	vst v50  }
0x58: {  	v55 =	vld [tilespmem:s24+$0xA10];
	[tilespmem:s24+$0x8600] =	vst v3;
	v3 =	vmul.f32 $3.200000000e+01, v45  }
0x59: {  	v54 =	vld [tilespmem:s24+$0xA00];
	v56 =	vmul.f32 $3.200000000e+01, v49;
	[tilespmem:s24+$0x8630] =	vst v53  }
0x5a: {  	v58 =	vld [tilespmem:s24+$0xA30];
	[tilespmem:s24+$0x8620] =	vst v3;
	v3 =	vmul.f32 $3.200000000e+01, v48  }
0x5b: {  	v57 =	vld [tilespmem:s24+$0xA20];
	v59 =	vmul.f32 $3.200000000e+01, v52;
	[tilespmem:s24+$0x8650] =	vst v56  }
0x5c: {  	v61 =	vld [tilespmem:s24+$0xA50];
	[tilespmem:s24+$0x8640] =	vst v3;
	v3 =	vmul.f32 $3.200000000e+01, v51  }
0x5d: {  	v60 =	vld [tilespmem:s24+$0xA40];
	v62 =	vmul.f32 $3.200000000e+01, v55;
	[tilespmem:s24+$0x8670] =	vst v59  }
0x5e: {  	v12 =	vld [tilespmem:s24+$0xA70];
	[tilespmem:s24+$0x8660] =	vst v3;
	v3 =	vmul.f32 $3.200000000e+01, v54  }
0x5f: {  	v63 =	vld [tilespmem:s24+$0xA60];
	v13 =	vmul.f32 $3.200000000e+01, v58;
	[tilespmem:s24+$0x8A10] =	vst v62  }
0x60: {  	v15 =	vld [tilespmem:s24+$0xE10];
	[tilespmem:s24+$0x8A00] =	vst v3;
	v3 =	vmul.f32 $3.200000000e+01, v57  }
0x61: {  	v14 =	vld [tilespmem:s24+$0xE00];
	v16 =	vmul.f32 $3.200000000e+01, v61;
	[tilespmem:s24+$0x8A30] =	vst v13  }
0x62: {  	v18 =	vld [tilespmem:s24+$0xE30];
	[tilespmem:s24+$0x8A20] =	vst v3;
	v3 =	vmul.f32 $3.200000000e+01, v60  }
0x63: {  	v17 =	vld [tilespmem:s24+$0xE20];
	v19 =	vmul.f32 $3.200000000e+01, v12;
	[tilespmem:s24+$0x8A50] =	vst v16  }
0x64: {  	v21 =	vld [tilespmem:s24+$0xE50];
	[tilespmem:s24+$0x8A40] =	vst v3;
	v3 =	vmul.f32 $3.200000000e+01, v63  }
0x65: {  	v20 =	vld [tilespmem:s24+$0xE40];
	v22 =	vmul.f32 $3.200000000e+01, v15;
	[tilespmem:s24+$0x8A70] =	vst v19  }
0x66: {  	v24 =	vld [tilespmem:s24+$0xE70];
	[tilespmem:s24+$0x8A60] =	vst v3;
	v3 =	vmul.f32 $3.200000000e+01, v14  }
0x67: {  	v23 =	vld [tilespmem:s24+$0xE60];
	v25 =	vmul.f32 $3.200000000e+01, v18;
	[tilespmem:s24+$0x8E10] =	vst v22  }
0x68: {  	v27 =	vld [tilespmem:s24+$0x1210];
	[tilespmem:s24+$0x8E00] =	vst v3;
	v3 =	vmul.f32 $3.200000000e+01, v17  }
0x69: {  	v26 =	vld [tilespmem:s24+$0x1200];
	v28 =	vmul.f32 $3.200000000e+01, v21;
	[tilespmem:s24+$0x8E30] =	vst v25  }
0x6a: {  	v30 =	vld [tilespmem:s24+$0x1230];
	[tilespmem:s24+$0x8E20] =	vst v3;
	v3 =	vmul.f32 $3.200000000e+01, v20  }
0x6b: {  	v29 =	vld [tilespmem:s24+$0x1220];
	v31 =	vmul.f32 $3.200000000e+01, v24;
	[tilespmem:s24+$0x8E50] =	vst v28  }
0x6c: {  	v33 =	vld [tilespmem:s24+$0x1250];
	[tilespmem:s24+$0x8E40] =	vst v3;
	v3 =	vmul.f32 $3.200000000e+01, v23  }
0x6d: {  	v32 =	vld [tilespmem:s24+$0x1240];
	v34 =	vmul.f32 $3.200000000e+01, v27;
	[tilespmem:s24+$0x8E70] =	vst v31  }
0x6e: {  	v36 =	vld [tilespmem:s24+$0x1270];
	[tilespmem:s24+$0x8E60] =	vst v3;
	v3 =	vmul.f32 $3.200000000e+01, v26  }
0x6f: {  	v35 =	vld [tilespmem:s24+$0x1260];
	v37 =	vmul.f32 $3.200000000e+01, v30;
	[tilespmem:s24+$0x9210] =	vst v34  }
0x70: {  	v39 =	vld [tilespmem:s24+$0x1610];
	[tilespmem:s24+$0x9200] =	vst v3;
	v3 =	vmul.f32 $3.200000000e+01, v29  }
0x71: {  	v38 =	vld [tilespmem:s24+$0x1600];
	v40 =	vmul.f32 $3.200000000e+01, v33;
	[tilespmem:s24+$0x9230] =	vst v37  }
0x72: {  	v42 =	vld [tilespmem:s24+$0x1630];
	[tilespmem:s24+$0x9220] =	vst v3;
	v3 =	vmul.f32 $3.200000000e+01, v32  }
0x73: {  	v43 =	vmul.f32 $3.200000000e+01, v36;
	v41 =	vld [tilespmem:s24+$0x1620];
	[tilespmem:s24+$0x9250] =	vst v40  }
0x74: {  	v45 =	vld [tilespmem:s24+$0x1650];
	[tilespmem:s24+$0x9240] =	vst v3;
	v3 =	vmul.f32 $3.200000000e+01, v35  }
0x75: {  	v46 =	vmul.f32 $3.200000000e+01, v39;
	v44 =	vld [tilespmem:s24+$0x1640];
	[tilespmem:s24+$0x9270] =	vst v43  }
0x76: {  	v48 =	vld [tilespmem:s24+$0x1670];
	[tilespmem:s24+$0x9260] =	vst v3;
	v3 =	vmul.f32 $3.200000000e+01, v38  }
0x77: {  	v47 =	vld [tilespmem:s24+$0x1660];
	[tilespmem:s24+$0x9610] =	vst v46;
	v49 =	vmul.f32 $3.200000000e+01, v42  }
0x78: {  	v51 =	vld [tilespmem:s24+$0x1A10];
	[tilespmem:s24+$0x9600] =	vst v3;
	v3 =	vmul.f32 $3.200000000e+01, v41  }
0x79: {  	v50 =	vld [tilespmem:s24+$0x1A00];
	[tilespmem:s24+$0x9630] =	vst v49;
	v52 =	vmul.f32 $3.200000000e+01, v45  }
0x7a: {  	v54 =	vld [tilespmem:s24+$0x1A30];
	[tilespmem:s24+$0x9620] =	vst v3;
	v3 =	vmul.f32 $3.200000000e+01, v44  }
0x7b: {  	v53 =	vld [tilespmem:s24+$0x1A20];
	[tilespmem:s24+$0x9650] =	vst v52;
	v55 =	vmul.f32 $3.200000000e+01, v48  }
0x7c: {  	v57 =	vld [tilespmem:s24+$0x1A50];
	[tilespmem:s24+$0x9640] =	vst v3;
	v3 =	vmul.f32 $3.200000000e+01, v47  }
0x7d: {  	v56 =	vld [tilespmem:s24+$0x1A40];
	[tilespmem:s24+$0x9670] =	vst v55;
	v58 =	vmul.f32 $3.200000000e+01, v51  }
0x7e: {  	v60 =	vld [tilespmem:s24+$0x1A70];
	[tilespmem:s24+$0x9660] =	vst v3;
	v3 =	vmul.f32 $3.200000000e+01, v50  }
0x7f: {  	v59 =	vld [tilespmem:s24+$0x1A60];
	[tilespmem:s24+$0x9A10] =	vst v58;
	v61 =	vmul.f32 $3.200000000e+01, v54  }
0x80: {  	[tilespmem:s24+$0x9A00] =	vst v3;
	v3 =	vmul.f32 $3.200000000e+01, v53  }
0x81: {  	[tilespmem:s24+$0x9A30] =	vst v61;
	v62 =	vmul.f32 $3.200000000e+01, v57  }
0x82: {  	[tilespmem:s24+$0x9A20] =	vst v3;
	v3 =	vmul.f32 $3.200000000e+01, v56  }
0x83: {  	s26 =	sand.u32 $0x7, s19;
	[tilespmem:s24+$0x9A50] =	vst v62;
	v63 =	vmul.f32 $3.200000000e+01, v60  }
0x84: {  	s25 =	sshll.u32 s26, $0x7;
	[tilespmem:s24+$0x9A40] =	vst v3;
	v3 =	vmul.f32 $3.200000000e+01, v59  }
0x85: {  	s25 =	sadd.s32 s25, s22;
	[tilespmem:s24+$0x9A70] =	vst v63  }
0x86: {  	s26 =	sor.u32 $0x1C00, s25;
	[tilespmem:s24+$0x9A60] =	vst v3  }
0x87: {  	v3 =	vld [tilespmem:s26+$0x200];
	_ =	sdelay $0x4  }
0x88: {  	v3 =	vmul.f32 $3.200000000e+01, v3;
	_ =	sdelay $0x1  }
0x89: {  	[tilespmem:s26+$0x8200] =	vst v3;
	s26 =	sor.u32 $0x1C10, s25  }
0x8a: {  	v3 =	vld [tilespmem:s26+$0x200];
	_ =	sdelay $0x4  }
0x8b: {  	v3 =	vmul.f32 $3.200000000e+01, v3;
	_ =	sdelay $0x1  }
0x8c: {  	[tilespmem:s26+$0x8200] =	vst v3;
	s26 =	sor.u32 $0x1C20, s25  }
0x8d: {  	v3 =	vld [tilespmem:s26+$0x200];
	_ =	sdelay $0x4  }
0x8e: {  	v3 =	vmul.f32 $3.200000000e+01, v3;
	_ =	sdelay $0x1  }
0x8f: {  	[tilespmem:s26+$0x8200] =	vst v3;
	s26 =	sor.u32 $0x1C30, s25  }
0x90: {  	v3 =	vld [tilespmem:s26+$0x200];
	_ =	sdelay $0x4  }
0x91: {  	v3 =	vmul.f32 $3.200000000e+01, v3;
	_ =	sdelay $0x1  }
0x92: {  	[tilespmem:s26+$0x8200] =	vst v3;
	s26 =	sor.u32 $0x1C40, s25  }
0x93: {  	v3 =	vld [tilespmem:s26+$0x200];
	_ =	sdelay $0x4  }
0x94: {  	v3 =	vmul.f32 $3.200000000e+01, v3;
	_ =	sdelay $0x1  }
0x95: {  	[tilespmem:s26+$0x8200] =	vst v3;
	s26 =	sor.u32 $0x1C50, s25  }
0x96: {  	v3 =	vld [tilespmem:s26+$0x200];
	_ =	sdelay $0x4  }
0x97: {  	v3 =	vmul.f32 $3.200000000e+01, v3;
	_ =	sdelay $0x1  }
0x98: {  	[tilespmem:s26+$0x8200] =	vst v3;
	s26 =	sor.u32 $0x1C60, s25  }
0x99: {  	v3 =	vld [tilespmem:s26+$0x200];
	_ =	sdelay $0x4  }
0x9a: {  	v3 =	vmul.f32 $3.200000000e+01, v3;
	_ =	sdelay $0x1  }
0x9b: {  	[tilespmem:s26+$0x8200] =	vst v3;
	s26 =	sor.u32 $0x1C70, s25  }
0x9c: {  	v3 =	vld [tilespmem:s26+$0x200];
	_ =	sdelay $0x1  }
0x9d: {  	p0 =	sne.s32 s23, $0x780  }
.Ltmp0:
0x9e: {  	_ = 	snop;
	(pc) =	sbr.rel @p0 .LBB2_3-.Ltmp0, $4  }
0x9f: {  	_ = 	snop  }
0xa0: {  	v3 =	vmul.f32 $3.200000000e+01, v3  }
0xa1: {  	s19 =	sadd.s32 $0x1, s19  }
0xa2: {  	s21 =	sadd.s32 $0x400, s21;
	s23 =	sadd.s32 $0x80, s23;
	s22 =	sadd.s32 $0x400, s22;
	[tilespmem:s26+$0x8200] =	vst v3  }
0xa3: {  	p0 =	seq.s32 s18, $0xF  }
0xa4: {  	s19 =	sshll.u32 @!p0 s18, $0x5  }
0xa5: {  	s19 =	sand.u32 @!p0 $0x3FFFFFE0, s19  }
0xa6: {  	v3 =	vld @!p0 [tilespmem:s19+$0x20];
	_ =	sdelay $0x4  }
0xa7: {  	v4 =	vshll.u32 @!p0 v3, $0x3  }
0xa8: {  	v5 =	vlaneseq.u32 @!p0;
	v3 =	vand.u32 @!p0 $0x7, v3;
	v4 =	vand.u32 @!p0 $0xFFFFFFC0, v4  }
0xa9: {  	v6 =	vshrl.u32 @!p0 v5, $0x3;
	v3 =	vor.u32 @!p0 v3, v4;
	v4 =	vand.u32 @!p0 $0x7, v5  }
0xaa: {  	v6 =	vmul.u32 @!p0 $0x8, v6;
	v4 =	vperm.xlane @!p0 v3, v4;
	_ =	sdelay $0x1  }
0xab: {  	v4 =	vadd.s32 @!p0 v6, v4;
	_ =	sdelay $0x3  }
0xac: {  	vm1 =	vmmov @!p0 $0xffff;
	s21 =	simm.s32 @!p0 $0x0;
	s22 =	simm.s32 @!p0 $0x200  }
0xad: {  	v5 =	vor.u32 @!p0 $0x8, v5;
	[tilespmem:s22], [sflag:$0x1] =	stream.indirect_vreg.gather @!p0 [hbm4b:s1+s21], $0x80, v4, vm1, $0xb8;
	[tilespmem:$0x10200] =	vst v63  }
0xae: {  	v3 =	vperm.xlane @!p0 v3, v5;
	s22 =	simm.s32 @!p0 $0xA00  }
0xaf: {  	[tilespmem:s22], [sflag:$0x1] =	stream.indirect_vreg.gather @!p0 [hbm4b:s7+s21], $0x80, v4, vm1, $0xb8;
	[tilespmem:$0x10200] =	vst v63  }
0xb0: {  	v3 =	vadd.s32 @!p0 v6, v3;
	s22 =	simm.s32 @!p0 $0x1200  }
0xb1: {  	[tilespmem:s22], [sflag:$0x1] =	stream.indirect_vreg.gather @!p0 [hbm4b:s8+s21], $0x80, v4, vm1, $0xb8;
	[tilespmem:$0x10200] =	vst v63  }
0xb2: {  	s22 =	simm.s32 @!p0 $0x1A00  }
0xb3: {  	[tilespmem:s22], [sflag:$0x1] =	stream.indirect_vreg.gather @!p0 [hbm4b:s9+s21], $0x80, v4, vm1, $0xb8;
	[tilespmem:$0x10200] =	vst v63  }
0xb4: {  	s22 =	simm.s32 @!p0 $0x2200  }
0xb5: {  	[tilespmem:s22], [sflag:$0x1] =	stream.indirect_vreg.gather @!p0 [hbm4b:s1+s21], $0x80, v3, vm1, $0xb8;
	[tilespmem:$0x10200] =	vst v63  }
0xb6: {  	s20 =	sadd.s32 s5, s20;
	s22 =	simm.s32 @!p0 $0x2A00  }
0xb7: {  	[tilespmem:s22], [sflag:$0x1] =	stream.indirect_vreg.gather @!p0 [hbm4b:s7+s21], $0x80, v3, vm1, $0xb8;
	[tilespmem:$0x10200] =	vst v63  }
0xb8: {  	s20 =	sor.u32 s10, s20;
	s22 =	simm.s32 @!p0 $0x3200  }
0xb9: {  	[tilespmem:s22], [sflag:$0x1] =	stream.indirect_vreg.gather @!p0 [hbm4b:s8+s21], $0x80, v3, vm1, $0xb8;
	[tilespmem:$0x10200] =	vst v63  }
0xba: {  	s20 =	sshrl.u32 s20, $0x3;
	s22 =	simm.s32 @!p0 $0x3A00  }
0xbb: {  	[tilespmem:s22], [sflag:$0x1] =	stream.indirect_vreg.gather @!p0 [hbm4b:s9+s21], $0x80, v3, vm1, $0xb8;
	[tilespmem:$0x10200] =	vst v63  }
0xbc: {  	s26 =	sadd.s32 s3, s20  }
0xbd: {  	[hbm4b:s26+s4] =	stream.linear.scatter [tilespmem:s0], [sflag:$0x3], $0x4000, $0x38;
	[tilespmem:$0x10200] =	vst v63  }
0xbe: {  	_ =	swait.ge [sflag:s2], $0x4000  }
0xbf: {  	[sflag:s2] =	ssyncset.done $0x0  }
0xc0: {  	s21 =	simm.s32 @!p1 $0x4;
	[sflag:s2] =	ssyncadd.s32 $0xFFFFC000  }
0xc1: {  	_ =	swait.ge @!p1 [sflag:s21], $0x4000  }
0xc2: {  	s23 =	simm.s32 $0x0;
	s24 =	simm.s32 $0x0;
	[sflag:s21] =	ssyncset.done @!p1 $0x0  }
0xc3: {  	s22 =	simm.s32 $0xFFFFC000;
	[sflag:s21] =	ssyncadd.s32 @!p1 $0xFFFFC000;
	s21 =	simm.s32 $0x0  }
.LBB2_5:
0xc4: {  	s25 =	sadd.s32 $0x4000, s22  }
0xc5: {  	s26 =	sand.u32 $0x380, s24;
	s25 =	sand.u32 $0x2000, s25  }
0xc6: {  	s25 =	sor.u32 s26, s25  }
0xc7: {  	v3 =	vld [tilespmem:s25+$0x4200]  }
0xc8: {  	v4 =	vld [tilespmem:s25+$0x4210]  }
0xc9: {  	v6 =	vld [tilespmem:s25+$0x4230]  }
0xca: {  	v5 =	vld [tilespmem:s25+$0x4220]  }
0xcb: {  	v8 =	vld [tilespmem:s25+$0x4250]  }
0xcc: {  	v7 =	vld [tilespmem:s25+$0x4240];
	v3 =	vmul.f32 $3.200000000e+01, v3  }
0xcd: {  	v40 =	vld [tilespmem:s25+$0x4270];
	v4 =	vmul.f32 $3.200000000e+01, v4  }
0xce: {  	v9 =	vld [tilespmem:s25+$0x4260];
	v41 =	vmul.f32 $3.200000000e+01, v6;
	[tilespmem:s25+$0xC200] =	vst v3  }
0xcf: {  	v43 =	vld [tilespmem:s25+$0x4610];
	v3 =	vmul.f32 $3.200000000e+01, v5;
	[tilespmem:s25+$0xC210] =	vst v4  }
0xd0: {  	v42 =	vld [tilespmem:s25+$0x4600];
	v44 =	vmul.f32 $3.200000000e+01, v8;
	[tilespmem:s25+$0xC230] =	vst v41  }
0xd1: {  	v46 =	vld [tilespmem:s25+$0x4630];
	[tilespmem:s25+$0xC220] =	vst v3;
	v3 =	vmul.f32 $3.200000000e+01, v7  }
0xd2: {  	v45 =	vld [tilespmem:s25+$0x4620];
	v47 =	vmul.f32 $3.200000000e+01, v40;
	[tilespmem:s25+$0xC250] =	vst v44  }
0xd3: {  	v49 =	vld [tilespmem:s25+$0x4650];
	[tilespmem:s25+$0xC240] =	vst v3;
	v3 =	vmul.f32 $3.200000000e+01, v9  }
0xd4: {  	v48 =	vld [tilespmem:s25+$0x4640];
	v50 =	vmul.f32 $3.200000000e+01, v43;
	[tilespmem:s25+$0xC270] =	vst v47  }
0xd5: {  	v52 =	vld [tilespmem:s25+$0x4670];
	[tilespmem:s25+$0xC260] =	vst v3;
	v3 =	vmul.f32 $3.200000000e+01, v42  }
0xd6: {  	v51 =	vld [tilespmem:s25+$0x4660];
	v53 =	vmul.f32 $3.200000000e+01, v46;
	[tilespmem:s25+$0xC610] =	vst v50  }
0xd7: {  	v55 =	vld [tilespmem:s25+$0x4A10];
	[tilespmem:s25+$0xC600] =	vst v3;
	v3 =	vmul.f32 $3.200000000e+01, v45  }
0xd8: {  	v54 =	vld [tilespmem:s25+$0x4A00];
	v56 =	vmul.f32 $3.200000000e+01, v49;
	[tilespmem:s25+$0xC630] =	vst v53  }
0xd9: {  	v58 =	vld [tilespmem:s25+$0x4A30];
	[tilespmem:s25+$0xC620] =	vst v3;
	v3 =	vmul.f32 $3.200000000e+01, v48  }
0xda: {  	v57 =	vld [tilespmem:s25+$0x4A20];
	v59 =	vmul.f32 $3.200000000e+01, v52;
	[tilespmem:s25+$0xC650] =	vst v56  }
0xdb: {  	v61 =	vld [tilespmem:s25+$0x4A50];
	[tilespmem:s25+$0xC640] =	vst v3;
	v3 =	vmul.f32 $3.200000000e+01, v51  }
0xdc: {  	v60 =	vld [tilespmem:s25+$0x4A40];
	v62 =	vmul.f32 $3.200000000e+01, v55;
	[tilespmem:s25+$0xC670] =	vst v59  }
0xdd: {  	v12 =	vld [tilespmem:s25+$0x4A70];
	[tilespmem:s25+$0xC660] =	vst v3;
	v3 =	vmul.f32 $3.200000000e+01, v54  }
0xde: {  	v63 =	vld [tilespmem:s25+$0x4A60];
	v13 =	vmul.f32 $3.200000000e+01, v58;
	[tilespmem:s25+$0xCA10] =	vst v62  }
0xdf: {  	v15 =	vld [tilespmem:s25+$0x4E10];
	[tilespmem:s25+$0xCA00] =	vst v3;
	v3 =	vmul.f32 $3.200000000e+01, v57  }
0xe0: {  	v14 =	vld [tilespmem:s25+$0x4E00];
	v16 =	vmul.f32 $3.200000000e+01, v61;
	[tilespmem:s25+$0xCA30] =	vst v13  }
0xe1: {  	v18 =	vld [tilespmem:s25+$0x4E30];
	[tilespmem:s25+$0xCA20] =	vst v3;
	v3 =	vmul.f32 $3.200000000e+01, v60  }
0xe2: {  	v17 =	vld [tilespmem:s25+$0x4E20];
	v19 =	vmul.f32 $3.200000000e+01, v12;
	[tilespmem:s25+$0xCA50] =	vst v16  }
0xe3: {  	v21 =	vld [tilespmem:s25+$0x4E50];
	[tilespmem:s25+$0xCA40] =	vst v3;
	v3 =	vmul.f32 $3.200000000e+01, v63  }
0xe4: {  	v20 =	vld [tilespmem:s25+$0x4E40];
	v22 =	vmul.f32 $3.200000000e+01, v15;
	[tilespmem:s25+$0xCA70] =	vst v19  }
0xe5: {  	v24 =	vld [tilespmem:s25+$0x4E70];
	[tilespmem:s25+$0xCA60] =	vst v3;
	v3 =	vmul.f32 $3.200000000e+01, v14  }
0xe6: {  	v23 =	vld [tilespmem:s25+$0x4E60];
	v25 =	vmul.f32 $3.200000000e+01, v18;
	[tilespmem:s25+$0xCE10] =	vst v22  }
0xe7: {  	v27 =	vld [tilespmem:s25+$0x5210];
	[tilespmem:s25+$0xCE00] =	vst v3;
	v3 =	vmul.f32 $3.200000000e+01, v17  }
0xe8: {  	v26 =	vld [tilespmem:s25+$0x5200];
	v28 =	vmul.f32 $3.200000000e+01, v21;
	[tilespmem:s25+$0xCE30] =	vst v25  }
0xe9: {  	v30 =	vld [tilespmem:s25+$0x5230];
	[tilespmem:s25+$0xCE20] =	vst v3;
	v3 =	vmul.f32 $3.200000000e+01, v20  }
0xea: {  	v29 =	vld [tilespmem:s25+$0x5220];
	v31 =	vmul.f32 $3.200000000e+01, v24;
	[tilespmem:s25+$0xCE50] =	vst v28  }
0xeb: {  	v33 =	vld [tilespmem:s25+$0x5250];
	[tilespmem:s25+$0xCE40] =	vst v3;
	v3 =	vmul.f32 $3.200000000e+01, v23  }
0xec: {  	v32 =	vld [tilespmem:s25+$0x5240];
	v34 =	vmul.f32 $3.200000000e+01, v27;
	[tilespmem:s25+$0xCE70] =	vst v31  }
0xed: {  	v36 =	vld [tilespmem:s25+$0x5270];
	[tilespmem:s25+$0xCE60] =	vst v3;
	v3 =	vmul.f32 $3.200000000e+01, v26  }
0xee: {  	v35 =	vld [tilespmem:s25+$0x5260];
	v37 =	vmul.f32 $3.200000000e+01, v30;
	[tilespmem:s25+$0xD210] =	vst v34  }
0xef: {  	v39 =	vld [tilespmem:s25+$0x5610];
	[tilespmem:s25+$0xD200] =	vst v3;
	v3 =	vmul.f32 $3.200000000e+01, v29  }
0xf0: {  	v38 =	vld [tilespmem:s25+$0x5600];
	v40 =	vmul.f32 $3.200000000e+01, v33;
	[tilespmem:s25+$0xD230] =	vst v37  }
0xf1: {  	v42 =	vld [tilespmem:s25+$0x5630];
	[tilespmem:s25+$0xD220] =	vst v3;
	v3 =	vmul.f32 $3.200000000e+01, v32  }
0xf2: {  	v43 =	vmul.f32 $3.200000000e+01, v36;
	v41 =	vld [tilespmem:s25+$0x5620];
	[tilespmem:s25+$0xD250] =	vst v40  }
0xf3: {  	v45 =	vld [tilespmem:s25+$0x5650];
	[tilespmem:s25+$0xD240] =	vst v3;
	v3 =	vmul.f32 $3.200000000e+01, v35  }
0xf4: {  	v46 =	vmul.f32 $3.200000000e+01, v39;
	v44 =	vld [tilespmem:s25+$0x5640];
	[tilespmem:s25+$0xD270] =	vst v43  }
0xf5: {  	v48 =	vld [tilespmem:s25+$0x5670];
	[tilespmem:s25+$0xD260] =	vst v3;
	v3 =	vmul.f32 $3.200000000e+01, v38  }
0xf6: {  	v47 =	vld [tilespmem:s25+$0x5660];
	[tilespmem:s25+$0xD610] =	vst v46;
	v49 =	vmul.f32 $3.200000000e+01, v42  }
0xf7: {  	v51 =	vld [tilespmem:s25+$0x5A10];
	[tilespmem:s25+$0xD600] =	vst v3;
	v3 =	vmul.f32 $3.200000000e+01, v41  }
0xf8: {  	v50 =	vld [tilespmem:s25+$0x5A00];
	[tilespmem:s25+$0xD630] =	vst v49;
	v52 =	vmul.f32 $3.200000000e+01, v45  }
0xf9: {  	v54 =	vld [tilespmem:s25+$0x5A30];
	[tilespmem:s25+$0xD620] =	vst v3;
	v3 =	vmul.f32 $3.200000000e+01, v44  }
0xfa: {  	v53 =	vld [tilespmem:s25+$0x5A20];
	[tilespmem:s25+$0xD650] =	vst v52;
	v55 =	vmul.f32 $3.200000000e+01, v48  }
0xfb: {  	v57 =	vld [tilespmem:s25+$0x5A50];
	[tilespmem:s25+$0xD640] =	vst v3;
	v3 =	vmul.f32 $3.200000000e+01, v47  }
0xfc: {  	v56 =	vld [tilespmem:s25+$0x5A40];
	[tilespmem:s25+$0xD670] =	vst v55;
	v58 =	vmul.f32 $3.200000000e+01, v51  }
0xfd: {  	v60 =	vld [tilespmem:s25+$0x5A70];
	[tilespmem:s25+$0xD660] =	vst v3;
	v3 =	vmul.f32 $3.200000000e+01, v50  }
0xfe: {  	v59 =	vld [tilespmem:s25+$0x5A60];
	[tilespmem:s25+$0xDA10] =	vst v58;
	v61 =	vmul.f32 $3.200000000e+01, v54  }
0xff: {  	[tilespmem:s25+$0xDA00] =	vst v3;
	v3 =	vmul.f32 $3.200000000e+01, v53  }
0x100: {  	[tilespmem:s25+$0xDA30] =	vst v61;
	v62 =	vmul.f32 $3.200000000e+01, v57  }
0x101: {  	[tilespmem:s25+$0xDA20] =	vst v3;
	v3 =	vmul.f32 $3.200000000e+01, v56  }
0x102: {  	s26 =	sand.u32 $0x7, s21;
	[tilespmem:s25+$0xDA50] =	vst v62;
	v63 =	vmul.f32 $3.200000000e+01, v60  }
0x103: {  	s26 =	sshll.u32 s26, $0x7;
	[tilespmem:s25+$0xDA40] =	vst v3;
	v3 =	vmul.f32 $3.200000000e+01, v59  }
0x104: {  	s26 =	sadd.s32 s26, s23;
	[tilespmem:s25+$0xDA70] =	vst v63  }
0x105: {  	[tilespmem:s25+$0xDA60] =	vst v3;
	s25 =	sor.u32 $0x1C00, s26  }
0x106: {  	v3 =	vld [tilespmem:s25+$0x4200];
	_ =	sdelay $0x4  }
0x107: {  	v3 =	vmul.f32 $3.200000000e+01, v3;
	_ =	sdelay $0x1  }
0x108: {  	[tilespmem:s25+$0xC200] =	vst v3;
	s25 =	sor.u32 $0x1C10, s26  }
0x109: {  	v3 =	vld [tilespmem:s25+$0x4200];
	_ =	sdelay $0x4  }
0x10a: {  	v3 =	vmul.f32 $3.200000000e+01, v3;
	_ =	sdelay $0x1  }
0x10b: {  	[tilespmem:s25+$0xC200] =	vst v3;
	s25 =	sor.u32 $0x1C20, s26  }
0x10c: {  	v3 =	vld [tilespmem:s25+$0x4200];
	_ =	sdelay $0x4  }
0x10d: {  	v3 =	vmul.f32 $3.200000000e+01, v3;
	_ =	sdelay $0x1  }
0x10e: {  	[tilespmem:s25+$0xC200] =	vst v3;
	s25 =	sor.u32 $0x1C30, s26  }
0x10f: {  	v3 =	vld [tilespmem:s25+$0x4200];
	_ =	sdelay $0x4  }
0x110: {  	v3 =	vmul.f32 $3.200000000e+01, v3;
	_ =	sdelay $0x1  }
0x111: {  	[tilespmem:s25+$0xC200] =	vst v3;
	s25 =	sor.u32 $0x1C40, s26  }
0x112: {  	v3 =	vld [tilespmem:s25+$0x4200];
	_ =	sdelay $0x4  }
0x113: {  	v3 =	vmul.f32 $3.200000000e+01, v3;
	_ =	sdelay $0x1  }
0x114: {  	[tilespmem:s25+$0xC200] =	vst v3;
	s25 =	sor.u32 $0x1C50, s26  }
0x115: {  	v3 =	vld [tilespmem:s25+$0x4200];
	_ =	sdelay $0x4  }
0x116: {  	v3 =	vmul.f32 $3.200000000e+01, v3;
	_ =	sdelay $0x1  }
0x117: {  	[tilespmem:s25+$0xC200] =	vst v3;
	s25 =	sor.u32 $0x1C60, s26  }
0x118: {  	v3 =	vld [tilespmem:s25+$0x4200];
	_ =	sdelay $0x4  }
0x119: {  	v3 =	vmul.f32 $3.200000000e+01, v3;
	_ =	sdelay $0x1  }
0x11a: {  	s26 =	sor.u32 $0x1C70, s26;
	[tilespmem:s25+$0xC200] =	vst v3  }
0x11b: {  	v3 =	vld [tilespmem:s26+$0x4200];
	_ =	sdelay $0x1  }
0x11c: {  	p1 =	sne.s32 s24, $0x780  }
.Ltmp1:
0x11d: {  	_ = 	snop;
	(pc) =	sbr.rel @p1 .LBB2_5-.Ltmp1, $4  }
0x11e: {  	_ = 	snop  }
0x11f: {  	v3 =	vmul.f32 $3.200000000e+01, v3  }
0x120: {  	s22 =	sadd.s32 $0x400, s22  }
0x121: {  	s24 =	sadd.s32 $0x80, s24;
	s21 =	sadd.s32 $0x1, s21;
	s23 =	sadd.s32 $0x400, s23;
	[tilespmem:s26+$0xC200] =	vst v3  }
0x122: {  	v3 =	vld @!p0 [tilespmem:s19+$0x30];
	_ =	sdelay $0x4  }
0x123: {  	v4 =	vshll.u32 @!p0 v3, $0x3  }
0x124: {  	v5 =	vlaneseq.u32 @!p0;
	v3 =	vand.u32 @!p0 $0x7, v3;
	v4 =	vand.u32 @!p0 $0xFFFFFFC0, v4  }
0x125: {  	v6 =	vshrl.u32 @!p0 v5, $0x3;
	v3 =	vor.u32 @!p0 v3, v4;
	v4 =	vand.u32 @!p0 $0x7, v5  }
0x126: {  	v6 =	vmul.u32 @!p0 $0x8, v6;
	v4 =	vperm.xlane @!p0 v3, v4;
	_ =	sdelay $0x1  }
0x127: {  	v4 =	vadd.s32 @!p0 v6, v4;
	_ =	sdelay $0x3  }
0x128: {  	s19 =	simm.s32 @!p0 $0x0;
	s21 =	simm.s32 @!p0 $0x4200  }
0x129: {  	v5 =	vor.u32 @!p0 $0x8, v5;
	[tilespmem:s21], [sflag:$0x2] =	stream.indirect_vreg.gather @!p0 [hbm4b:s1+s19], $0x80, v4, vm1, $0xb8;
	[tilespmem:$0x10200] =	vst v63  }
0x12a: {  	v3 =	vperm.xlane @!p0 v3, v5;
	s21 =	simm.s32 @!p0 $0x4A00  }
0x12b: {  	[tilespmem:s21], [sflag:$0x2] =	stream.indirect_vreg.gather @!p0 [hbm4b:s7+s19], $0x80, v4, vm1, $0xb8;
	[tilespmem:$0x10200] =	vst v63  }
0x12c: {  	v3 =	vadd.s32 @!p0 v6, v3;
	s21 =	simm.s32 @!p0 $0x5200  }
0x12d: {  	[tilespmem:s21], [sflag:$0x2] =	stream.indirect_vreg.gather @!p0 [hbm4b:s8+s19], $0x80, v4, vm1, $0xb8;
	[tilespmem:$0x10200] =	vst v63  }
0x12e: {  	s21 =	simm.s32 @!p0 $0x5A00  }
0x12f: {  	[tilespmem:s21], [sflag:$0x2] =	stream.indirect_vreg.gather @!p0 [hbm4b:s9+s19], $0x80, v4, vm1, $0xb8;
	[tilespmem:$0x10200] =	vst v63  }
0x130: {  	s21 =	simm.s32 @!p0 $0x6200  }
0x131: {  	[tilespmem:s21], [sflag:$0x2] =	stream.indirect_vreg.gather @!p0 [hbm4b:s1+s19], $0x80, v3, vm1, $0xb8;
	[tilespmem:$0x10200] =	vst v63  }
0x132: {  	s21 =	simm.s32 @!p0 $0x6A00  }
0x133: {  	[tilespmem:s21], [sflag:$0x2] =	stream.indirect_vreg.gather @!p0 [hbm4b:s7+s19], $0x80, v3, vm1, $0xb8;
	[tilespmem:$0x10200] =	vst v63  }
0x134: {  	s21 =	simm.s32 @!p0 $0x7200  }
0x135: {  	[tilespmem:s21], [sflag:$0x2] =	stream.indirect_vreg.gather @!p0 [hbm4b:s8+s19], $0x80, v3, vm1, $0xb8;
	[tilespmem:$0x10200] =	vst v63  }
0x136: {  	s18 =	sadd.s32 $0x1, s18;
	s21 =	simm.s32 @!p0 $0x7A00  }
0x137: {  	[tilespmem:s21], [sflag:$0x2] =	stream.indirect_vreg.gather @!p0 [hbm4b:s9+s19], $0x80, v3, vm1, $0xb8;
	[tilespmem:$0x10200] =	vst v63  }
0x138: {  	p0 =	sne.s32 s18, $0x10  }
.Ltmp2:
0x139: {  	_ = 	snop;
	(pc) =	sbr.rel @p0 .LBB2_2-.Ltmp2, $4  }
0x13a: {  	_ = 	snop  }
0x13b: {  	s26 =	sadd.s32 s20, s3  }
0x13c: {  	s19 =	sadd.s32 $0x800, s26  }
0x13d: {  	[hbm4b:s19+s4] =	stream.linear.scatter [tilespmem:s12], [sflag:$0x4], $0x4000, $0x38;
	[tilespmem:$0x10200] =	vst v63  }
0x13e: {  	s17 =	sadd.s32 $0x1, s17  }
0x13f: {  	_ =	swait.ge [sflag:s15], $0x4000;
	p0 =	sne.s32 s17, s11  }
.Ltmp3:
0x140: {  	[sflag:s15] =	ssyncset.done $0x0;
	(pc) =	sbr.rel @p0 .LBB2_1-.Ltmp3, $4  }
0x141: {  	[sflag:s15] =	ssyncadd.s32 $0xFFFFC000  }
0x142: {  	_ =	swait.ge [sflag:s16], $0x4000  }
0x143: {  	[sflag:s16] =	ssyncset.done $0x0  }
0x144: {  	[sflag:s16] =	ssyncadd.s32 $0xFFFFC000  }
0x145: {  	_ =	sfence.sel $0x180000  }
0x146: {  	[bflag:$0x0] =	sbarrier.arrive $0xFFFF  }
0x147: {  	_ =	strace $0x90000047  }
0x148: {  	s0 =	stileid.u32;
	[bflag:$0x2] =	sbarrier.arrive $0xFFFF  }
0x149: {  	p0 =	sne.s32 s0, $0x0;
	s0 =	rddreg [dreg:$0x3]  }
0x14a: {  	s0 =	sadd.s32 @!p0 $0x100000, s0  }
0x14b: {  	[sflag:s0] =	ssyncadd.tile.s32 @!p0 $0x1;
	_ =	shalt  }
.Lfunc_end2:
_tile_overlayer_lowered:
.L_overlay_start_2:
0x14c: {  	(tag) =	ssettag $0x2  }
0x14d: {  	s0 =	rddreg [dreg:$0x0];
	s2 =	stileid.u32  }
0x14e: {  	s1 =	rddreg [dreg:$0x1];
	p0 =	sne.s32 s2, $0x0  }
0x14f: {  	s3 =	rddreg [dreg:$0x2];
	[bflag:$0x3] =	sbarrier.arrive $0xFFFF;
	s2 =	simm.s32 @!p0 $0x1C05  }
0x150: {  	[timem:s3], [sflag:s2] =	dma.local @!p0 [hbm:s0], s1  }
0x151: {  	s0 =	simm.s32 @!p0 $0x5  }
0x152: {  	_ =	swait.ge @!p0 [sflag:s0], s1  }
0x153: {  	s1 =	ssub.s32 @!p0 $0x0, s1;
	[sflag:s0] =	ssyncset.done @!p0 $0x0  }
0x154: {  	[sflag:s0] =	ssyncadd.s32 @!p0 s1  }
0x155: {  	[bflag:$0x3] =	sbarrier.arrive $0xFFFF  }
0x156: {  	_ =	shalt  }

</sc_bundles>
